<compile_context>
chip_gen: v7x
topology: tpu7x:2x2x1
jax: 0.10.2.dev20260603
libtpu: 0.0.44.dev20260713+nightly
codegen_flags: <defaults>
</compile_context>

<pallas_src>
import functools

import jax
import jax.numpy as jnp
from jax import lax
from jax.experimental import pallas as pl
from jax.experimental.pallas import tpu as pltpu
from jax.experimental.pallas import tpu_sc as plsc

EPS = 1e-3
_HIGH = lax.Precision.HIGHEST


def _topk_body(xf_ref, xr_ref, idx_ref, *, n, k, rt):
    xf = xf_ref[0]
    xr = xr_ref[0]
    xx = jnp.sum(xf * xf, axis=0, keepdims=True)
    xxr = jnp.sum(xr * xr, axis=0, keepdims=True)
    dg = lax.dot_general(xf, xr, (((0,), (0,)), ((), ())),
                         preferred_element_type=jnp.float32,
                         precision=lax.Precision.DEFAULT)
    s0 = 2.0 * dg - jnp.transpose(xx) - xxr
    subio = lax.broadcasted_iota(jnp.int32, (n, rt), 0)
    kio = lax.broadcasted_iota(jnp.int32, (k, rt), 0)
    neg = jnp.float32(-3.0e38)

    def fstep(t, carry):
        vcur, jacc = carry
        m = jnp.max(jnp.where(s0 < vcur, s0, neg), axis=0,
                    keepdims=True)
        j = jnp.min(jnp.where(s0 == vcur, subio, n), axis=0, keepdims=True)
        jacc = jnp.where(kio == (t - 1), j, jacc)
        return (m, jacc)

    jacc0 = jnp.zeros((k, rt), jnp.int32)
    vinf = jnp.full((1, rt), jnp.float32(3.0e38))
    _, jacc = lax.fori_loop(0, k + 1, fstep, (vinf, jacc0))
    idx_ref[0] = jacc


def _knn_topk(points, k):
    b, c, n = points.shape
    rt = 512
    grid = (b, n // rt)
    return pl.pallas_call(
        functools.partial(_topk_body, n=n, k=k, rt=rt),
        grid=grid,
        in_specs=[
            pl.BlockSpec((1, c, n), lambda bi, ri: (bi, 0, 0)),
            pl.BlockSpec((1, c, rt), lambda bi, ri: (bi, 0, ri)),
        ],
        out_specs=pl.BlockSpec((1, k, rt), lambda bi, ri: (bi, 0, ri)),
        out_shape=jax.ShapeDtypeStruct((b, k, n), jnp.int32),
    )(points, points)


def _sc_gather(points, idx_kn):
    b, c, n = points.shape
    k = idx_kn.shape[1]
    info = plsc.get_sparse_core_info()
    nw = info.num_cores * info.num_subcores
    rows = b * k
    rpw = rows // nw
    idx_flat = idx_kn.reshape(rows * n)
    pts_flat = points.reshape(b * c * n)
    mesh = plsc.VectorSubcoreMesh(core_axis_name="c", subcore_axis_name="s")

    @functools.partial(
        pl.kernel,
        mesh=mesh,
        compiler_params=pltpu.CompilerParams(needs_layout_passes=False),
        out_type=jax.ShapeDtypeStruct((rows * c * n,), jnp.float32),
        scratch_types=[
            pltpu.VMEM((c * n,), jnp.float32),
            pltpu.VMEM((n,), jnp.int32),
            pltpu.VMEM((c * n,), jnp.float32),
        ],
    )
    def gk(pts_hbm, idx_hbm, out_hbm, xloc, iloc, gloc):
        wid = lax.axis_index("s") * info.num_cores + lax.axis_index("c")
        for r in range(rpw):
            row = wid * rpw + r
            bi = row // k
            pltpu.sync_copy(pts_hbm.at[pl.ds(bi * c * n, c * n)], xloc)
            pltpu.sync_copy(idx_hbm.at[pl.ds(row * n, n)], iloc)

            def body(i, _, iloc=iloc, gloc=gloc, xloc=xloc):
                iv = iloc[pl.ds(i * 16, 16)]
                for ci in range(c):
                    gi = iv + jnp.full((16,), ci * n, jnp.int32)
                    gloc[pl.ds(ci * n + i * 16, 16)] = plsc.load_gather(
                        xloc, [gi])
                return 0

            lax.fori_loop(0, n // 16, body, 0)
            for ci in range(c):
                pltpu.sync_copy(gloc.at[pl.ds(ci * n, n)],
                                out_hbm.at[pl.ds((row * c + ci) * n, n)])

    return gk(pts_flat, idx_flat).reshape(b, k, c, n)


def _chain(xg, pts, wa_ref, wd_ref, w2_ref, w3_ref, consts, upto):
    wa = wa_ref[...]
    wd = wd_ref[...]
    y = (lax.dot_general(wa, xg, (((1,), (0,)), ((), ())),
                         preferred_element_type=jnp.float32, precision=_HIGH)
         + lax.dot_general(wd, pts, (((1,), (0,)), ((), ())),
                           preferred_element_type=jnp.float32,
                           precision=_HIGH))
    if upto == 1:
        return y
    sc1, sh1 = consts[0]
    co = y.shape[0]
    g = jnp.maximum(y * sc1[:co] + sh1[:co], 0.0)
    y = lax.dot_general(w2_ref[...], g, (((1,), (0,)), ((), ())),
                        preferred_element_type=jnp.float32, precision=_HIGH)
    if upto == 2:
        return y
    sc2, sh2 = consts[1]
    co = y.shape[0]
    g = jnp.maximum(y * sc2[:co] + sh2[:co], 0.0)
    y = lax.dot_general(w3_ref[...], g, (((1,), (0,)), ((), ())),
                        preferred_element_type=jnp.float32, precision=_HIGH)
    return y


def _stats_body(xg_ref, pts_ref, wa_ref, wd_ref, w2_ref, w3_ref, *rest,
                upto, cout):
    const_refs, (s_ref, q_ref) = rest[:-2], rest[-2:]
    consts = []
    for i in range(0, len(const_refs), 2):
        consts.append((const_refs[i][...], const_refs[i + 1][...]))
    first = ((pl.program_id(0) == 0) & (pl.program_id(1) == 0)
             & (pl.program_id(2) == 0))

    @pl.when(first)
    def _():
        s_ref[...] = jnp.zeros_like(s_ref)
        q_ref[...] = jnp.zeros_like(q_ref)

    xg = xg_ref[0, 0]
    pts = pts_ref[0]
    y = _chain(xg, pts, wa_ref, wd_ref, w2_ref, w3_ref, consts, upto)
    s = jnp.sum(y, axis=1, keepdims=True)
    q = jnp.sum(y * y, axis=1, keepdims=True)
    s_ref[pl.ds(0, cout), :] = s_ref[pl.ds(0, cout), :] + s
    q_ref[pl.ds(0, cout), :] = q_ref[pl.ds(0, cout), :] + q


def _final_body(xg_ref, pts_ref, wa_ref, wd_ref, w2_ref, w3_ref, *rest):
    const_refs, out_ref = rest[:-1], rest[-1]
    consts = []
    for i in range(0, len(const_refs) - 2, 2):
        consts.append((const_refs[i][...], const_refs[i + 1][...]))
    sc3, sh3 = const_refs[-2][...], const_refs[-1][...]
    xg = xg_ref[0, 0]
    pts = pts_ref[0]
    y = _chain(xg, pts, wa_ref, wd_ref, w2_ref, w3_ref, consts, upto=3)
    co = y.shape[0]
    g = jnp.maximum(y * sc3[:co] + sh3[:co], 0.0)
    ki = pl.program_id(2)

    @pl.when(ki == 0)
    def _():
        out_ref[0] = g

    @pl.when(ki != 0)
    def _():
        out_ref[0] = jnp.maximum(out_ref[0], g)


def _conv_pass(xg4, points, weights, consts, upto, cout, nt):
    b, k, c, n = xg4.shape
    grid = (b, n // nt, k)
    wa, wd, w2, w3 = weights
    in_specs = [
        pl.BlockSpec((1, 1, c, nt), lambda bi, ni, ki: (bi, ki, 0, ni)),
        pl.BlockSpec((1, c, nt), lambda bi, ni, ki: (bi, 0, ni)),
        pl.BlockSpec(wa.shape, lambda bi, ni, ki: (0, 0)),
        pl.BlockSpec(wd.shape, lambda bi, ni, ki: (0, 0)),
        pl.BlockSpec(w2.shape, lambda bi, ni, ki: (0, 0)),
        pl.BlockSpec(w3.shape, lambda bi, ni, ki: (0, 0)),
    ]
    args = [xg4, points, wa, wd, w2, w3]
    for sc, sh in consts:
        in_specs.append(pl.BlockSpec((128, 1), lambda bi, ni, ki: (0, 0)))
        in_specs.append(pl.BlockSpec((128, 1), lambda bi, ni, ki: (0, 0)))
        args.extend([sc, sh])
    if upto is not None:
        out_specs = [pl.BlockSpec((128, 1), lambda bi, ni, ki: (0, 0))] * 2
        out_shape = [jax.ShapeDtypeStruct((128, 1), jnp.float32)] * 2
        body = functools.partial(_stats_body, upto=upto, cout=cout)
    else:
        out_specs = pl.BlockSpec((1, cout, nt), lambda bi, ni, ki: (bi, 0, ni))
        out_shape = jax.ShapeDtypeStruct((b, cout, n), jnp.float32)
        body = _final_body
    return pl.pallas_call(
        body, grid=grid, in_specs=in_specs, out_specs=out_specs,
        out_shape=out_shape,
    )(*args)


def _bn_consts(s, q, p, gamma, beta):
    mean = s[:, 0] / p
    var = jnp.maximum(q[:, 0] / p - mean * mean, 0.0)
    scale = _pad128(gamma) * lax.rsqrt(var + EPS)
    shift = _pad128(beta) - mean * scale
    return scale[:, None], shift[:, None]


def _pad128(v):
    return jnp.pad(v, (0, 128 - v.shape[0]))


def kernel(points, features, W1, b1, g1, be1, W2, b2, g2, be2,
           W3, b3, g3, be3):
    del features, b1, b2, b3
    b, c, n = points.shape
    k = 32
    nt = 2048
    p = float(b * k * n)

    fps_idx = jax.random.permutation(jax.random.key(42), c)
    new_points = points[:, fps_idx, :]

    idx_kn = _knn_topk(points, k)
    xg4 = _sc_gather(points, idx_kn)

    wa = W1[:, :c]
    wd = W1[:, c:] - W1[:, :c]
    weights = (wa, wd, W2, W3)

    s1, q1 = _conv_pass(xg4, points, weights, [], upto=1,
                        cout=W1.shape[0], nt=nt)
    c1 = _bn_consts(s1, q1, p, g1, be1)
    s2, q2 = _conv_pass(xg4, points, weights, [c1], upto=2,
                        cout=W2.shape[0], nt=nt)
    c2 = _bn_consts(s2, q2, p, g2, be2)
    s3, q3 = _conv_pass(xg4, points, weights, [c1, c2], upto=3,
                        cout=W3.shape[0], nt=nt)
    c3 = _bn_consts(s3, q3, p, g3, be3)
    f = _conv_pass(xg4, points, weights, [c1, c2, c3], upto=None,
                   cout=W3.shape[0], nt=nt)
    return (new_points, f)

# --- scband reference (transcript-rebuilt; emitter-appended) ---
"""Pipeline reference for scband-set-conv-18588618457255 (READ-ONLY COPY).

The authoritative reference and input builder live on the scoring server;
editing this copy changes nothing except your own understanding.
"""

import jax, jax.numpy as jnp
import numpy as np

B, C, N = 4, 3, 4096
K = 32
OUT = [32, 32, 64]
EPS = 1e-3


def knn(x, k):
    # x: [B, C, N]
    inner = -2.0 * jnp.matmul(jnp.transpose(x, (0, 2, 1)), x)  # [B, N, N]
    xx = jnp.sum(x ** 2, axis=1, keepdims=True)                # [B, 1, N]
    pairwise = -xx - inner - jnp.transpose(xx, (0, 2, 1))      # [B, N, N]
    idx = jax.lax.top_k(pairwise, k)[1]                        # [B, N, k]
    return idx


def get_graph_feature(x, k):
    b, num_dims, num_points = x.shape
    idx = knn(x, k)
    idx_base = jnp.arange(b).reshape(-1, 1, 1) * num_points
    idx = (idx + idx_base).reshape(-1)
    xt = jnp.transpose(x, (0, 2, 1)).reshape(b * num_points, num_dims)
    feature = jnp.take(xt, idx, axis=0).reshape(b, num_points, k, num_dims)
    xc = xt.reshape(b, num_points, 1, num_dims)
    xc = jnp.broadcast_to(xc, (b, num_points, k, num_dims))
    feature = jnp.concatenate((feature - xc, xc), axis=3)
    return jnp.transpose(feature, (0, 3, 1, 2))  # [B, 2*C, N, k]


def conv_bn_relu(f, W, bias, gamma, beta):
    # 1x1 Conv2d: [B, Cin, N, k] -> [B, Cout, N, k]
    y = jnp.einsum('oc,bcnk->bonk', W, f) + bias[None, :, None, None]
    # BatchNorm2d in training mode (batch statistics, biased variance)
    mean = jnp.mean(y, axis=(0, 2, 3), keepdims=True)
    var = jnp.mean((y - mean) ** 2, axis=(0, 2, 3), keepdims=True)
    y = (y - mean) / jnp.sqrt(var + EPS)
    y = y * gamma[None, :, None, None] + beta[None, :, None, None]
    return jax.nn.relu(y)


def setup_inputs(seed: int = 0) -> dict:
    key = jax.random.key(seed)
    ks = jax.random.split(key, 8)
    inp = {}
    inp['points'] = jax.random.normal(ks[0], (B, C, N), dtype=jnp.float32)
    inp['features'] = jax.random.normal(ks[1], (B, 64, N), dtype=jnp.float32)
    cins = [2 * C] + OUT[:-1]
    for i, (cin, cout) in enumerate(zip(cins, OUT), start=1):
        inp[f'W{i}'] = jax.random.normal(ks[1 + i], (cout, cin), dtype=jnp.float32) * (1.0 / np.sqrt(cin))
        inp[f'b{i}'] = jnp.zeros((cout,), dtype=jnp.float32)
        inp[f'g{i}'] = jnp.ones((cout,), dtype=jnp.float32)
        inp[f'be{i}'] = jnp.zeros((cout,), dtype=jnp.float32)
    return inp


def reference(points, features, W1, b1, g1, be1, W2, b2, g2, be2, W3, b3, g3, be3):
    # fps sampling: fixed random permutation of points.size(1) (=C here, faithful to the torch code)
    fps_idx = jax.random.permutation(jax.random.key(42), points.shape[1])[:3]
    new_points = points[:, fps_idx, :]
    f = get_graph_feature(points, K)
    f = conv_bn_relu(f, W1, b1, g1, be1)
    f = conv_bn_relu(f, W2, b2, g2, be2)
    f = conv_bn_relu(f, W3, b3, g3, be3)
    f = jnp.max(f, axis=-1)
    return (new_points, f)

if __name__ == "__main__":
    import jax
    _d = setup_inputs()
    print(jax.jit(kernel)(*tuple(_d.values())))

</pallas_src>

<mosaic_0001>
#map = affine_map<(d0, d1) -> (0)>
module attributes {stable_mosaic.version = 14 : i64} {
  func.func @gk(%arg0: i32, %arg1: i32, %arg2: memref<49152xf32, #tpu.memory_space<hbm>>, %arg3: memref<524288xi32, #tpu.memory_space<hbm>>, %arg4: memref<1572864xf32, #tpu.memory_space<hbm>>, %arg5: memref<12288xf32, #tpu.memory_space<vmem>>, %arg6: memref<4096xi32, #tpu.memory_space<vmem>>, %arg7: memref<12288xf32, #tpu.memory_space<vmem>>) attributes {dimension_semantics = [#tpu.dimension_semantics<core_parallel>, #tpu.dimension_semantics<subcore_parallel>], iteration_bounds = array<i64: 2, 16>, scalar_prefetch = 0 : i64, scratch_operands = 3 : i64, tpu.core_type = #tpu.core_type<sc_vector_subcore>, window_params = [{transform_indices = #map}, {transform_indices = #map}, {transform_indices = #map}]} {
    %mul3A = arith.constant 2 : i32
    %mul3A_0 = arith.muli %arg1, %mul3A : i32
    %add3A = arith.addi %mul3A_0, %arg0 : i32
    %mul3A_1 = arith.constant 4 : i32
    %mul3A_2 = arith.muli %add3A, %mul3A_1 : i32
    %add3A_3 = arith.constant 0 : i32
    %add3A_4 = arith.addi %mul3A_2, %add3A_3 : i32
    %jit3A = arith.constant 32 : i32
    %div3A = arith.divsi %add3A_4, %jit3A : i32
    %sign3A = arith.constant 0 : i32
    %sign3A_5 = arith.cmpi sgt, %add3A_4, %sign3A : i32
    %sign3A_6 = arith.extui %sign3A_5 : i1 to i32
    %sign3A_7 = arith.constant 0 : i32
    %sign3A_8 = arith.cmpi slt, %add3A_4, %sign3A_7 : i32
    %sign3A_9 = arith.extui %sign3A_8 : i1 to i32
    %sign3A_10 = arith.subi %sign3A_6, %sign3A_9 : i32
    %sign3A_11 = arith.constant 0 : i32
    %sign3A_12 = arith.cmpi sgt, %jit3A, %sign3A_11 : i32
    %sign3A_13 = arith.extui %sign3A_12 : i1 to i32
    %sign3A_14 = arith.constant 0 : i32
    %sign3A_15 = arith.cmpi slt, %jit3A, %sign3A_14 : i32
    %sign3A_16 = arith.extui %sign3A_15 : i1 to i32
    %sign3A_17 = arith.subi %sign3A_13, %sign3A_16 : i32
    %ne3A = arith.cmpi ne, %sign3A_10, %sign3A_17 : i32
    %rem3A = arith.remsi %add3A_4, %jit3A : i32
    %ne3A_18 = arith.constant 0 : i32
    %ne3A_19 = arith.cmpi ne, %rem3A, %ne3A_18 : i32
    %and3A = arith.andi %ne3A, %ne3A_19 : i1
    %sub3A = arith.constant 1 : i32
    %sub3A_20 = arith.subi %div3A, %sub3A : i32
    %select_n3A = arith.select %and3A, %sub3A_20, %div3A : i32
    %mul3A_21 = arith.constant 3 : i32
    %mul3A_22 = arith.muli %select_n3A, %mul3A_21 : i32
    %mul3A_23 = arith.constant 4096 : i32
    %mul3A_24 = arith.muli %mul3A_22, %mul3A_23 : i32
    "tpu.region"() ({
      %run_scoped3A = tpu.sem_alloc : memref<!tpu.dma_semaphore, #tpu.memory_space<semaphore_mem>>
      %dma_start3A = tpu.memref_slice %arg2[%mul3A_24] : memref<49152xf32, #tpu.memory_space<hbm>> -> memref<12288xf32, #tpu.memory_space<hbm>>
      %dma_start3A_228 = tpu.memref_slice %arg2[%mul3A_24] : memref<49152xf32, #tpu.memory_space<hbm>> -> memref<12288xf32, #tpu.memory_space<hbm>>
      tpu.enqueue_dma source(%dma_start3A_228 : memref<12288xf32, #tpu.memory_space<hbm>>) target(%arg5 : memref<12288xf32, #tpu.memory_space<vmem>>) target_semaphore(%run_scoped3A : memref<!tpu.dma_semaphore, #tpu.memory_space<semaphore_mem>>)
      %dma_wait3A = tpu.memref_slice %arg2[%mul3A_24] : memref<49152xf32, #tpu.memory_space<hbm>> -> memref<12288xf32, #tpu.memory_space<hbm>>
      %dma_wait3A_229 = tpu.memref_slice %arg2[%mul3A_24] : memref<49152xf32, #tpu.memory_space<hbm>> -> memref<12288xf32, #tpu.memory_space<hbm>>
      tpu.wait_dma2 semaphore(%run_scoped3A : memref<!tpu.dma_semaphore, #tpu.memory_space<semaphore_mem>>) src(%dma_wait3A_229 : memref<12288xf32, #tpu.memory_space<hbm>>) dst(%arg5 : memref<12288xf32, #tpu.memory_space<vmem>>)
      tpu.yield
    }) : () -> ()
    %mul3A_25 = arith.constant 4096 : i32
    %mul3A_26 = arith.muli %add3A_4, %mul3A_25 : i32
    "tpu.region"() ({
      %run_scoped3A = tpu.sem_alloc : memref<!tpu.dma_semaphore, #tpu.memory_space<semaphore_mem>>
      %dma_start3A = tpu.memref_slice %arg3[%mul3A_26] : memref<524288xi32, #tpu.memory_space<hbm>> -> memref<4096xi32, #tpu.memory_space<hbm>>
      %dma_start3A_228 = tpu.memref_slice %arg3[%mul3A_26] : memref<524288xi32, #tpu.memory_space<hbm>> -> memref<4096xi32, #tpu.memory_space<hbm>>
      tpu.enqueue_dma source(%dma_start3A_228 : memref<4096xi32, #tpu.memory_space<hbm>>) target(%arg6 : memref<4096xi32, #tpu.memory_space<vmem>>) target_semaphore(%run_scoped3A : memref<!tpu.dma_semaphore, #tpu.memory_space<semaphore_mem>>)
      %dma_wait3A = tpu.memref_slice %arg3[%mul3A_26] : memref<524288xi32, #tpu.memory_space<hbm>> -> memref<4096xi32, #tpu.memory_space<hbm>>
      %dma_wait3A_229 = tpu.memref_slice %arg3[%mul3A_26] : memref<524288xi32, #tpu.memory_space<hbm>> -> memref<4096xi32, #tpu.memory_space<hbm>>
      tpu.wait_dma2 semaphore(%run_scoped3A : memref<!tpu.dma_semaphore, #tpu.memory_space<semaphore_mem>>) src(%dma_wait3A_229 : memref<4096xi32, #tpu.memory_space<hbm>>) dst(%arg6 : memref<4096xi32, #tpu.memory_space<vmem>>)
      tpu.yield
    }) : () -> ()
    %scan3A = arith.constant 0 : i32
    %scan3A_27 = arith.constant 0 : i32
    %scan3A_28 = arith.constant 256 : i32
    %scan3A_29 = arith.addi %scan3A_27, %scan3A_28 : i32
    %scan3A_30 = arith.constant 1 : i32
    %scan3A_31 = scf.for %scan3A_228 = %scan3A_27 to %scan3A_29 step %scan3A_30 iter_args(%scan3A_229 = %scan3A) -> (i32)  : i32 {
      %mul3A_230 = arith.constant 16 : i32
      %mul3A_231 = arith.muli %scan3A_228, %mul3A_230 : i32
      %get3A = arith.index_cast %mul3A_231 : i32 to index
      %get3A_232 = tpu.vector_load %arg6[%get3A] {strides = array<i32>} : memref<4096xi32, #tpu.memory_space<vmem>>, vector<16xi32>,
      %broadcast_in_dim3A = arith.constant 0 : i32
      %broadcast_in_dim3A_233 = vector.broadcast %broadcast_in_dim3A : i32 to vector<16xi32>
      %add3A_234 = arith.addi %get3A_232, %broadcast_in_dim3A_233 : vector<16xi32>
      %gather3A = tpu.vector_load_idx %arg5[%add3A_234] : memref<12288xf32, #tpu.memory_space<vmem>>[vector<16xi32>], vector<16xf32>,
      %mul3A_235 = arith.constant 16 : i32
      %mul3A_236 = arith.muli %scan3A_228, %mul3A_235 : i32
      %add3A_237 = arith.constant 0 : i32
      %add3A_238 = arith.addi %add3A_237, %mul3A_236 : i32
      %swap3A = arith.index_cast %add3A_238 : i32 to index
      %swap3A_239 = tpu.vector_load %arg7[%swap3A] {strides = array<i32>} : memref<12288xf32, #tpu.memory_space<vmem>>, vector<16xf32>,
      tpu.vector_store %arg7[%swap3A], %gather3A {strides = array<i32>} : memref<12288xf32, #tpu.memory_space<vmem>>, vector<16xf32>,
      %broadcast_in_dim3A_240 = arith.constant 4096 : i32
      %broadcast_in_dim3A_241 = vector.broadcast %broadcast_in_dim3A_240 : i32 to vector<16xi32>
      %add3A_242 = arith.addi %get3A_232, %broadcast_in_dim3A_241 : vector<16xi32>
      %gather3A_243 = tpu.vector_load_idx %arg5[%add3A_242] : memref<12288xf32, #tpu.memory_space<vmem>>[vector<16xi32>], vector<16xf32>,
      %mul3A_244 = arith.constant 16 : i32
      %mul3A_245 = arith.muli %scan3A_228, %mul3A_244 : i32
      %add3A_246 = arith.constant 4096 : i32
      %add3A_247 = arith.addi %add3A_246, %mul3A_245 : i32
      %swap3A_248 = arith.index_cast %add3A_247 : i32 to index
      %swap3A_249 = tpu.vector_load %arg7[%swap3A_248] {strides = array<i32>} : memref<12288xf32, #tpu.memory_space<vmem>>, vector<16xf32>,
      tpu.vector_store %arg7[%swap3A_248], %gather3A_243 {strides = array<i32>} : memref<12288xf32, #tpu.memory_space<vmem>>, vector<16xf32>,
      %broadcast_in_dim3A_250 = arith.constant 8192 : i32
      %broadcast_in_dim3A_251 = vector.broadcast %broadcast_in_dim3A_250 : i32 to vector<16xi32>
      %add3A_252 = arith.addi %get3A_232, %broadcast_in_dim3A_251 : vector<16xi32>
      %gather3A_253 = tpu.vector_load_idx %arg5[%add3A_252] : memref<12288xf32, #tpu.memory_space<vmem>>[vector<16xi32>], vector<16xf32>,
      %mul3A_254 = arith.constant 16 : i32
      %mul3A_255 = arith.muli %scan3A_228, %mul3A_254 : i32
      %add3A_256 = arith.constant 8192 : i32
      %add3A_257 = arith.addi %add3A_256, %mul3A_255 : i32
      %swap3A_258 = arith.index_cast %add3A_257 : i32 to index
      %swap3A_259 = tpu.vector_load %arg7[%swap3A_258] {strides = array<i32>} : memref<12288xf32, #tpu.memory_space<vmem>>, vector<16xf32>,
      tpu.vector_store %arg7[%swap3A_258], %gather3A_253 {strides = array<i32>} : memref<12288xf32, #tpu.memory_space<vmem>>, vector<16xf32>,
      %scan3A_260 = arith.constant 0 : i32
      scf.yield %scan3A_260 : i32
    }
    %scan3A_32 = arith.constant 256 : i32
    %mul3A_33 = arith.constant 3 : i32
    %mul3A_34 = arith.muli %add3A_4, %mul3A_33 : i32
    %add3A_35 = arith.constant 0 : i32
    %add3A_36 = arith.addi %mul3A_34, %add3A_35 : i32
    %mul3A_37 = arith.constant 4096 : i32
    %mul3A_38 = arith.muli %add3A_36, %mul3A_37 : i32
    "tpu.region"() ({
      %run_scoped3A = tpu.sem_alloc : memref<!tpu.dma_semaphore, #tpu.memory_space<semaphore_mem>>
      %dma_start3A = arith.constant 0 : i32
      %dma_start3A_228 = tpu.memref_slice %arg7[%dma_start3A] : memref<12288xf32, #tpu.memory_space<vmem>> -> memref<4096xf32, #tpu.memory_space<vmem>>
      %dma_start3A_229 = tpu.memref_slice %arg4[%mul3A_38] : memref<1572864xf32, #tpu.memory_space<hbm>> -> memref<4096xf32, #tpu.memory_space<hbm>>
      %dma_start3A_230 = tpu.memref_slice %arg4[%mul3A_38] : memref<1572864xf32, #tpu.memory_space<hbm>> -> memref<4096xf32, #tpu.memory_space<hbm>>
      %dma_start3A_231 = arith.constant 0 : i32
      %dma_start3A_232 = tpu.memref_slice %arg7[%dma_start3A_231] : memref<12288xf32, #tpu.memory_space<vmem>> -> memref<4096xf32, #tpu.memory_space<vmem>>
      tpu.enqueue_dma source(%dma_start3A_232 : memref<4096xf32, #tpu.memory_space<vmem>>) target(%dma_start3A_230 : memref<4096xf32, #tpu.memory_space<hbm>>) target_semaphore(%run_scoped3A : memref<!tpu.dma_semaphore, #tpu.memory_space<semaphore_mem>>)
      %dma_wait3A = arith.constant 0 : i32
      %dma_wait3A_233 = tpu.memref_slice %arg7[%dma_wait3A] : memref<12288xf32, #tpu.memory_space<vmem>> -> memref<4096xf32, #tpu.memory_space<vmem>>
      %dma_wait3A_234 = tpu.memref_slice %arg4[%mul3A_38] : memref<1572864xf32, #tpu.memory_space<hbm>> -> memref<4096xf32, #tpu.memory_space<hbm>>
      %dma_wait3A_235 = tpu.memref_slice %arg4[%mul3A_38] : memref<1572864xf32, #tpu.memory_space<hbm>> -> memref<4096xf32, #tpu.memory_space<hbm>>
      %dma_wait3A_236 = arith.constant 0 : i32
      %dma_wait3A_237 = tpu.memref_slice %arg7[%dma_wait3A_236] : memref<12288xf32, #tpu.memory_space<vmem>> -> memref<4096xf32, #tpu.memory_space<vmem>>
      tpu.wait_dma2 semaphore(%run_scoped3A : memref<!tpu.dma_semaphore, #tpu.memory_space<semaphore_mem>>) src(%dma_wait3A_237 : memref<4096xf32, #tpu.memory_space<vmem>>) dst(%dma_wait3A_235 : memref<4096xf32, #tpu.memory_space<hbm>>)
      tpu.yield
    }) : () -> ()
    %mul3A_39 = arith.constant 3 : i32
    %mul3A_40 = arith.muli %add3A_4, %mul3A_39 : i32
    %add3A_41 = arith.constant 1 : i32
    %add3A_42 = arith.addi %mul3A_40, %add3A_41 : i32
    %mul3A_43 = arith.constant 4096 : i32
    %mul3A_44 = arith.muli %add3A_42, %mul3A_43 : i32
    "tpu.region"() ({
      %run_scoped3A = tpu.sem_alloc : memref<!tpu.dma_semaphore, #tpu.memory_space<semaphore_mem>>
      %dma_start3A = arith.constant 4096 : i32
      %dma_start3A_228 = tpu.memref_slice %arg7[%dma_start3A] : memref<12288xf32, #tpu.memory_space<vmem>> -> memref<4096xf32, #tpu.memory_space<vmem>>
      %dma_start3A_229 = tpu.memref_slice %arg4[%mul3A_44] : memref<1572864xf32, #tpu.memory_space<hbm>> -> memref<4096xf32, #tpu.memory_space<hbm>>
      %dma_start3A_230 = tpu.memref_slice %arg4[%mul3A_44] : memref<1572864xf32, #tpu.memory_space<hbm>> -> memref<4096xf32, #tpu.memory_space<hbm>>
      %dma_start3A_231 = arith.constant 4096 : i32
      %dma_start3A_232 = tpu.memref_slice %arg7[%dma_start3A_231] : memref<12288xf32, #tpu.memory_space<vmem>> -> memref<4096xf32, #tpu.memory_space<vmem>>
      tpu.enqueue_dma source(%dma_start3A_232 : memref<4096xf32, #tpu.memory_space<vmem>>) target(%dma_start3A_230 : memref<4096xf32, #tpu.memory_space<hbm>>) target_semaphore(%run_scoped3A : memref<!tpu.dma_semaphore, #tpu.memory_space<semaphore_mem>>)
      %dma_wait3A = arith.constant 4096 : i32
      %dma_wait3A_233 = tpu.memref_slice %arg7[%dma_wait3A] : memref<12288xf32, #tpu.memory_space<vmem>> -> memref<4096xf32, #tpu.memory_space<vmem>>
      %dma_wait3A_234 = tpu.memref_slice %arg4[%mul3A_44] : memref<1572864xf32, #tpu.memory_space<hbm>> -> memref<4096xf32, #tpu.memory_space<hbm>>
      %dma_wait3A_235 = tpu.memref_slice %arg4[%mul3A_44] : memref<1572864xf32, #tpu.memory_space<hbm>> -> memref<4096xf32, #tpu.memory_space<hbm>>
      %dma_wait3A_236 = arith.constant 4096 : i32
      %dma_wait3A_237 = tpu.memref_slice %arg7[%dma_wait3A_236] : memref<12288xf32, #tpu.memory_space<vmem>> -> memref<4096xf32, #tpu.memory_space<vmem>>
      tpu.wait_dma2 semaphore(%run_scoped3A : memref<!tpu.dma_semaphore, #tpu.memory_space<semaphore_mem>>) src(%dma_wait3A_237 : memref<4096xf32, #tpu.memory_space<vmem>>) dst(%dma_wait3A_235 : memref<4096xf32, #tpu.memory_space<hbm>>)
      tpu.yield
    }) : () -> ()
    %mul3A_45 = arith.constant 3 : i32
    %mul3A_46 = arith.muli %add3A_4, %mul3A_45 : i32
    %add3A_47 = arith.constant 2 : i32
    %add3A_48 = arith.addi %mul3A_46, %add3A_47 : i32
    %mul3A_49 = arith.constant 4096 : i32
    %mul3A_50 = arith.muli %add3A_48, %mul3A_49 : i32
    "tpu.region"() ({
      %run_scoped3A = tpu.sem_alloc : memref<!tpu.dma_semaphore, #tpu.memory_space<semaphore_mem>>
      %dma_start3A = arith.constant 8192 : i32
      %dma_start3A_228 = tpu.memref_slice %arg7[%dma_start3A] : memref<12288xf32, #tpu.memory_space<vmem>> -> memref<4096xf32, #tpu.memory_space<vmem>>
      %dma_start3A_229 = tpu.memref_slice %arg4[%mul3A_50] : memref<1572864xf32, #tpu.memory_space<hbm>> -> memref<4096xf32, #tpu.memory_space<hbm>>
      %dma_start3A_230 = tpu.memref_slice %arg4[%mul3A_50] : memref<1572864xf32, #tpu.memory_space<hbm>> -> memref<4096xf32, #tpu.memory_space<hbm>>
      %dma_start3A_231 = arith.constant 8192 : i32
      %dma_start3A_232 = tpu.memref_slice %arg7[%dma_start3A_231] : memref<12288xf32, #tpu.memory_space<vmem>> -> memref<4096xf32, #tpu.memory_space<vmem>>
      tpu.enqueue_dma source(%dma_start3A_232 : memref<4096xf32, #tpu.memory_space<vmem>>) target(%dma_start3A_230 : memref<4096xf32, #tpu.memory_space<hbm>>) target_semaphore(%run_scoped3A : memref<!tpu.dma_semaphore, #tpu.memory_space<semaphore_mem>>)
      %dma_wait3A = arith.constant 8192 : i32
      %dma_wait3A_233 = tpu.memref_slice %arg7[%dma_wait3A] : memref<12288xf32, #tpu.memory_space<vmem>> -> memref<4096xf32, #tpu.memory_space<vmem>>
      %dma_wait3A_234 = tpu.memref_slice %arg4[%mul3A_50] : memref<1572864xf32, #tpu.memory_space<hbm>> -> memref<4096xf32, #tpu.memory_space<hbm>>
      %dma_wait3A_235 = tpu.memref_slice %arg4[%mul3A_50] : memref<1572864xf32, #tpu.memory_space<hbm>> -> memref<4096xf32, #tpu.memory_space<hbm>>
      %dma_wait3A_236 = arith.constant 8192 : i32
      %dma_wait3A_237 = tpu.memref_slice %arg7[%dma_wait3A_236] : memref<12288xf32, #tpu.memory_space<vmem>> -> memref<4096xf32, #tpu.memory_space<vmem>>
      tpu.wait_dma2 semaphore(%run_scoped3A : memref<!tpu.dma_semaphore, #tpu.memory_space<semaphore_mem>>) src(%dma_wait3A_237 : memref<4096xf32, #tpu.memory_space<vmem>>) dst(%dma_wait3A_235 : memref<4096xf32, #tpu.memory_space<hbm>>)
      tpu.yield
    }) : () -> ()
    %mul3A_51 = arith.constant 4 : i32
    %mul3A_52 = arith.muli %add3A, %mul3A_51 : i32
    %add3A_53 = arith.constant 1 : i32
    %add3A_54 = arith.addi %mul3A_52, %add3A_53 : i32
    %jit3A_55 = arith.constant 32 : i32
    %div3A_56 = arith.divsi %add3A_54, %jit3A_55 : i32
    %sign3A_57 = arith.constant 0 : i32
    %sign3A_58 = arith.cmpi sgt, %add3A_54, %sign3A_57 : i32
    %sign3A_59 = arith.extui %sign3A_58 : i1 to i32
    %sign3A_60 = arith.constant 0 : i32
    %sign3A_61 = arith.cmpi slt, %add3A_54, %sign3A_60 : i32
    %sign3A_62 = arith.extui %sign3A_61 : i1 to i32
    %sign3A_63 = arith.subi %sign3A_59, %sign3A_62 : i32
    %sign3A_64 = arith.constant 0 : i32
    %sign3A_65 = arith.cmpi sgt, %jit3A_55, %sign3A_64 : i32
    %sign3A_66 = arith.extui %sign3A_65 : i1 to i32
    %sign3A_67 = arith.constant 0 : i32
    %sign3A_68 = arith.cmpi slt, %jit3A_55, %sign3A_67 : i32
    %sign3A_69 = arith.extui %sign3A_68 : i1 to i32
    %sign3A_70 = arith.subi %sign3A_66, %sign3A_69 : i32
    %ne3A_71 = arith.cmpi ne, %sign3A_63, %sign3A_70 : i32
    %rem3A_72 = arith.remsi %add3A_54, %jit3A_55 : i32
    %ne3A_73 = arith.constant 0 : i32
    %ne3A_74 = arith.cmpi ne, %rem3A_72, %ne3A_73 : i32
    %and3A_75 = arith.andi %ne3A_71, %ne3A_74 : i1
    %sub3A_76 = arith.constant 1 : i32
    %sub3A_77 = arith.subi %div3A_56, %sub3A_76 : i32
    %select_n3A_78 = arith.select %and3A_75, %sub3A_77, %div3A_56 : i32
    %mul3A_79 = arith.constant 3 : i32
    %mul3A_80 = arith.muli %select_n3A_78, %mul3A_79 : i32
    %mul3A_81 = arith.constant 4096 : i32
    %mul3A_82 = arith.muli %mul3A_80, %mul3A_81 : i32
    "tpu.region"() ({
      %run_scoped3A = tpu.sem_alloc : memref<!tpu.dma_semaphore, #tpu.memory_space<semaphore_mem>>
      %dma_start3A = tpu.memref_slice %arg2[%mul3A_82] : memref<49152xf32, #tpu.memory_space<hbm>> -> memref<12288xf32, #tpu.memory_space<hbm>>
      %dma_start3A_228 = tpu.memref_slice %arg2[%mul3A_82] : memref<49152xf32, #tpu.memory_space<hbm>> -> memref<12288xf32, #tpu.memory_space<hbm>>
      tpu.enqueue_dma source(%dma_start3A_228 : memref<12288xf32, #tpu.memory_space<hbm>>) target(%arg5 : memref<12288xf32, #tpu.memory_space<vmem>>) target_semaphore(%run_scoped3A : memref<!tpu.dma_semaphore, #tpu.memory_space<semaphore_mem>>)
      %dma_wait3A = tpu.memref_slice %arg2[%mul3A_82] : memref<49152xf32, #tpu.memory_space<hbm>> -> memref<12288xf32, #tpu.memory_space<hbm>>
      %dma_wait3A_229 = tpu.memref_slice %arg2[%mul3A_82] : memref<49152xf32, #tpu.memory_space<hbm>> -> memref<12288xf32, #tpu.memory_space<hbm>>
      tpu.wait_dma2 semaphore(%run_scoped3A : memref<!tpu.dma_semaphore, #tpu.memory_space<semaphore_mem>>) src(%dma_wait3A_229 : memref<12288xf32, #tpu.memory_space<hbm>>) dst(%arg5 : memref<12288xf32, #tpu.memory_space<vmem>>)
      tpu.yield
    }) : () -> ()
    %mul3A_83 = arith.constant 4096 : i32
    %mul3A_84 = arith.muli %add3A_54, %mul3A_83 : i32
    "tpu.region"() ({
      %run_scoped3A = tpu.sem_alloc : memref<!tpu.dma_semaphore, #tpu.memory_space<semaphore_mem>>
      %dma_start3A = tpu.memref_slice %arg3[%mul3A_84] : memref<524288xi32, #tpu.memory_space<hbm>> -> memref<4096xi32, #tpu.memory_space<hbm>>
      %dma_start3A_228 = tpu.memref_slice %arg3[%mul3A_84] : memref<524288xi32, #tpu.memory_space<hbm>> -> memref<4096xi32, #tpu.memory_space<hbm>>
      tpu.enqueue_dma source(%dma_start3A_228 : memref<4096xi32, #tpu.memory_space<hbm>>) target(%arg6 : memref<4096xi32, #tpu.memory_space<vmem>>) target_semaphore(%run_scoped3A : memref<!tpu.dma_semaphore, #tpu.memory_space<semaphore_mem>>)
      %dma_wait3A = tpu.memref_slice %arg3[%mul3A_84] : memref<524288xi32, #tpu.memory_space<hbm>> -> memref<4096xi32, #tpu.memory_space<hbm>>
      %dma_wait3A_229 = tpu.memref_slice %arg3[%mul3A_84] : memref<524288xi32, #tpu.memory_space<hbm>> -> memref<4096xi32, #tpu.memory_space<hbm>>
      tpu.wait_dma2 semaphore(%run_scoped3A : memref<!tpu.dma_semaphore, #tpu.memory_space<semaphore_mem>>) src(%dma_wait3A_229 : memref<4096xi32, #tpu.memory_space<hbm>>) dst(%arg6 : memref<4096xi32, #tpu.memory_space<vmem>>)
      tpu.yield
    }) : () -> ()
    %scan3A_85 = arith.constant 0 : i32
    %scan3A_86 = arith.constant 0 : i32
    %scan3A_87 = arith.constant 256 : i32
    %scan3A_88 = arith.addi %scan3A_86, %scan3A_87 : i32
    %scan3A_89 = arith.constant 1 : i32
    %scan3A_90 = scf.for %scan3A_228 = %scan3A_86 to %scan3A_88 step %scan3A_89 iter_args(%scan3A_229 = %scan3A_85) -> (i32)  : i32 {
      %mul3A_230 = arith.constant 16 : i32
      %mul3A_231 = arith.muli %scan3A_228, %mul3A_230 : i32
      %get3A = arith.index_cast %mul3A_231 : i32 to index
      %get3A_232 = tpu.vector_load %arg6[%get3A] {strides = array<i32>} : memref<4096xi32, #tpu.memory_space<vmem>>, vector<16xi32>,
      %broadcast_in_dim3A = arith.constant 0 : i32
      %broadcast_in_dim3A_233 = vector.broadcast %broadcast_in_dim3A : i32 to vector<16xi32>
      %add3A_234 = arith.addi %get3A_232, %broadcast_in_dim3A_233 : vector<16xi32>
      %gather3A = tpu.vector_load_idx %arg5[%add3A_234] : memref<12288xf32, #tpu.memory_space<vmem>>[vector<16xi32>], vector<16xf32>,
      %mul3A_235 = arith.constant 16 : i32
      %mul3A_236 = arith.muli %scan3A_228, %mul3A_235 : i32
      %add3A_237 = arith.constant 0 : i32
      %add3A_238 = arith.addi %add3A_237, %mul3A_236 : i32
      %swap3A = arith.index_cast %add3A_238 : i32 to index
      %swap3A_239 = tpu.vector_load %arg7[%swap3A] {strides = array<i32>} : memref<12288xf32, #tpu.memory_space<vmem>>, vector<16xf32>,
      tpu.vector_store %arg7[%swap3A], %gather3A {strides = array<i32>} : memref<12288xf32, #tpu.memory_space<vmem>>, vector<16xf32>,
      %broadcast_in_dim3A_240 = arith.constant 4096 : i32
      %broadcast_in_dim3A_241 = vector.broadcast %broadcast_in_dim3A_240 : i32 to vector<16xi32>
      %add3A_242 = arith.addi %get3A_232, %broadcast_in_dim3A_241 : vector<16xi32>
      %gather3A_243 = tpu.vector_load_idx %arg5[%add3A_242] : memref<12288xf32, #tpu.memory_space<vmem>>[vector<16xi32>], vector<16xf32>,
      %mul3A_244 = arith.constant 16 : i32
      %mul3A_245 = arith.muli %scan3A_228, %mul3A_244 : i32
      %add3A_246 = arith.constant 4096 : i32
      %add3A_247 = arith.addi %add3A_246, %mul3A_245 : i32
      %swap3A_248 = arith.index_cast %add3A_247 : i32 to index
      %swap3A_249 = tpu.vector_load %arg7[%swap3A_248] {strides = array<i32>} : memref<12288xf32, #tpu.memory_space<vmem>>, vector<16xf32>,
      tpu.vector_store %arg7[%swap3A_248], %gather3A_243 {strides = array<i32>} : memref<12288xf32, #tpu.memory_space<vmem>>, vector<16xf32>,
      %broadcast_in_dim3A_250 = arith.constant 8192 : i32
      %broadcast_in_dim3A_251 = vector.broadcast %broadcast_in_dim3A_250 : i32 to vector<16xi32>
      %add3A_252 = arith.addi %get3A_232, %broadcast_in_dim3A_251 : vector<16xi32>
      %gather3A_253 = tpu.vector_load_idx %arg5[%add3A_252] : memref<12288xf32, #tpu.memory_space<vmem>>[vector<16xi32>], vector<16xf32>,
      %mul3A_254 = arith.constant 16 : i32
      %mul3A_255 = arith.muli %scan3A_228, %mul3A_254 : i32
      %add3A_256 = arith.constant 8192 : i32
      %add3A_257 = arith.addi %add3A_256, %mul3A_255 : i32
      %swap3A_258 = arith.index_cast %add3A_257 : i32 to index
      %swap3A_259 = tpu.vector_load %arg7[%swap3A_258] {strides = array<i32>} : memref<12288xf32, #tpu.memory_space<vmem>>, vector<16xf32>,
      tpu.vector_store %arg7[%swap3A_258], %gather3A_253 {strides = array<i32>} : memref<12288xf32, #tpu.memory_space<vmem>>, vector<16xf32>,
      %scan3A_260 = arith.constant 0 : i32
      scf.yield %scan3A_260 : i32
    }
    %scan3A_91 = arith.constant 256 : i32
    %mul3A_92 = arith.constant 3 : i32
    %mul3A_93 = arith.muli %add3A_54, %mul3A_92 : i32
    %add3A_94 = arith.constant 0 : i32
    %add3A_95 = arith.addi %mul3A_93, %add3A_94 : i32
    %mul3A_96 = arith.constant 4096 : i32
    %mul3A_97 = arith.muli %add3A_95, %mul3A_96 : i32
    "tpu.region"() ({
      %run_scoped3A = tpu.sem_alloc : memref<!tpu.dma_semaphore, #tpu.memory_space<semaphore_mem>>
      %dma_start3A = arith.constant 0 : i32
      %dma_start3A_228 = tpu.memref_slice %arg7[%dma_start3A] : memref<12288xf32, #tpu.memory_space<vmem>> -> memref<4096xf32, #tpu.memory_space<vmem>>
      %dma_start3A_229 = tpu.memref_slice %arg4[%mul3A_97] : memref<1572864xf32, #tpu.memory_space<hbm>> -> memref<4096xf32, #tpu.memory_space<hbm>>
      %dma_start3A_230 = tpu.memref_slice %arg4[%mul3A_97] : memref<1572864xf32, #tpu.memory_space<hbm>> -> memref<4096xf32, #tpu.memory_space<hbm>>
      %dma_start3A_231 = arith.constant 0 : i32
      %dma_start3A_232 = tpu.memref_slice %arg7[%dma_start3A_231] : memref<12288xf32, #tpu.memory_space<vmem>> -> memref<4096xf32, #tpu.memory_space<vmem>>
      tpu.enqueue_dma source(%dma_start3A_232 : memref<4096xf32, #tpu.memory_space<vmem>>) target(%dma_start3A_230 : memref<4096xf32, #tpu.memory_space<hbm>>) target_semaphore(%run_scoped3A : memref<!tpu.dma_semaphore, #tpu.memory_space<semaphore_mem>>)
      %dma_wait3A = arith.constant 0 : i32
      %dma_wait3A_233 = tpu.memref_slice %arg7[%dma_wait3A] : memref<12288xf32, #tpu.memory_space<vmem>> -> memref<4096xf32, #tpu.memory_space<vmem>>
      %dma_wait3A_234 = tpu.memref_slice %arg4[%mul3A_97] : memref<1572864xf32, #tpu.memory_space<hbm>> -> memref<4096xf32, #tpu.memory_space<hbm>>
      %dma_wait3A_235 = tpu.memref_slice %arg4[%mul3A_97] : memref<1572864xf32, #tpu.memory_space<hbm>> -> memref<4096xf32, #tpu.memory_space<hbm>>
      %dma_wait3A_236 = arith.constant 0 : i32
      %dma_wait3A_237 = tpu.memref_slice %arg7[%dma_wait3A_236] : memref<12288xf32, #tpu.memory_space<vmem>> -> memref<4096xf32, #tpu.memory_space<vmem>>
      tpu.wait_dma2 semaphore(%run_scoped3A : memref<!tpu.dma_semaphore, #tpu.memory_space<semaphore_mem>>) src(%dma_wait3A_237 : memref<4096xf32, #tpu.memory_space<vmem>>) dst(%dma_wait3A_235 : memref<4096xf32, #tpu.memory_space<hbm>>)
      tpu.yield
    }) : () -> ()
    %mul3A_98 = arith.constant 3 : i32
    %mul3A_99 = arith.muli %add3A_54, %mul3A_98 : i32
    %add3A_100 = arith.constant 1 : i32
    %add3A_101 = arith.addi %mul3A_99, %add3A_100 : i32
    %mul3A_102 = arith.constant 4096 : i32
    %mul3A_103 = arith.muli %add3A_101, %mul3A_102 : i32
    "tpu.region"() ({
      %run_scoped3A = tpu.sem_alloc : memref<!tpu.dma_semaphore, #tpu.memory_space<semaphore_mem>>
      %dma_start3A = arith.constant 4096 : i32
      %dma_start3A_228 = tpu.memref_slice %arg7[%dma_start3A] : memref<12288xf32, #tpu.memory_space<vmem>> -> memref<4096xf32, #tpu.memory_space<vmem>>
      %dma_start3A_229 = tpu.memref_slice %arg4[%mul3A_103] : memref<1572864xf32, #tpu.memory_space<hbm>> -> memref<4096xf32, #tpu.memory_space<hbm>>
      %dma_start3A_230 = tpu.memref_slice %arg4[%mul3A_103] : memref<1572864xf32, #tpu.memory_space<hbm>> -> memref<4096xf32, #tpu.memory_space<hbm>>
      %dma_start3A_231 = arith.constant 4096 : i32
      %dma_start3A_232 = tpu.memref_slice %arg7[%dma_start3A_231] : memref<12288xf32, #tpu.memory_space<vmem>> -> memref<4096xf32, #tpu.memory_space<vmem>>
      tpu.enqueue_dma source(%dma_start3A_232 : memref<4096xf32, #tpu.memory_space<vmem>>) target(%dma_start3A_230 : memref<4096xf32, #tpu.memory_space<hbm>>) target_semaphore(%run_scoped3A : memref<!tpu.dma_semaphore, #tpu.memory_space<semaphore_mem>>)
      %dma_wait3A = arith.constant 4096 : i32
      %dma_wait3A_233 = tpu.memref_slice %arg7[%dma_wait3A] : memref<12288xf32, #tpu.memory_space<vmem>> -> memref<4096xf32, #tpu.memory_space<vmem>>
      %dma_wait3A_234 = tpu.memref_slice %arg4[%mul3A_103] : memref<1572864xf32, #tpu.memory_space<hbm>> -> memref<4096xf32, #tpu.memory_space<hbm>>
      %dma_wait3A_235 = tpu.memref_slice %arg4[%mul3A_103] : memref<1572864xf32, #tpu.memory_space<hbm>> -> memref<4096xf32, #tpu.memory_space<hbm>>
      %dma_wait3A_236 = arith.constant 4096 : i32
      %dma_wait3A_237 = tpu.memref_slice %arg7[%dma_wait3A_236] : memref<12288xf32, #tpu.memory_space<vmem>> -> memref<4096xf32, #tpu.memory_space<vmem>>
      tpu.wait_dma2 semaphore(%run_scoped3A : memref<!tpu.dma_semaphore, #tpu.memory_space<semaphore_mem>>) src(%dma_wait3A_237 : memref<4096xf32, #tpu.memory_space<vmem>>) dst(%dma_wait3A_235 : memref<4096xf32, #tpu.memory_space<hbm>>)
      tpu.yield
    }) : () -> ()
    %mul3A_104 = arith.constant 3 : i32
    %mul3A_105 = arith.muli %add3A_54, %mul3A_104 : i32
    %add3A_106 = arith.constant 2 : i32
    %add3A_107 = arith.addi %mul3A_105, %add3A_106 : i32
    %mul3A_108 = arith.constant 4096 : i32
    %mul3A_109 = arith.muli %add3A_107, %mul3A_108 : i32
    "tpu.region"() ({
      %run_scoped3A = tpu.sem_alloc : memref<!tpu.dma_semaphore, #tpu.memory_space<semaphore_mem>>
      %dma_start3A = arith.constant 8192 : i32
      %dma_start3A_228 = tpu.memref_slice %arg7[%dma_start3A] : memref<12288xf32, #tpu.memory_space<vmem>> -> memref<4096xf32, #tpu.memory_space<vmem>>
      %dma_start3A_229 = tpu.memref_slice %arg4[%mul3A_109] : memref<1572864xf32, #tpu.memory_space<hbm>> -> memref<4096xf32, #tpu.memory_space<hbm>>
      %dma_start3A_230 = tpu.memref_slice %arg4[%mul3A_109] : memref<1572864xf32, #tpu.memory_space<hbm>> -> memref<4096xf32, #tpu.memory_space<hbm>>
      %dma_start3A_231 = arith.constant 8192 : i32
      %dma_start3A_232 = tpu.memref_slice %arg7[%dma_start3A_231] : memref<12288xf32, #tpu.memory_space<vmem>> -> memref<4096xf32, #tpu.memory_space<vmem>>
      tpu.enqueue_dma source(%dma_start3A_232 : memref<4096xf32, #tpu.memory_space<vmem>>) target(%dma_start3A_230 : memref<4096xf32, #tpu.memory_space<hbm>>) target_semaphore(%run_scoped3A : memref<!tpu.dma_semaphore, #tpu.memory_space<semaphore_mem>>)
      %dma_wait3A = arith.constant 8192 : i32
      %dma_wait3A_233 = tpu.memref_slice %arg7[%dma_wait3A] : memref<12288xf32, #tpu.memory_space<vmem>> -> memref<4096xf32, #tpu.memory_space<vmem>>
      %dma_wait3A_234 = tpu.memref_slice %arg4[%mul3A_109] : memref<1572864xf32, #tpu.memory_space<hbm>> -> memref<4096xf32, #tpu.memory_space<hbm>>
      %dma_wait3A_235 = tpu.memref_slice %arg4[%mul3A_109] : memref<1572864xf32, #tpu.memory_space<hbm>> -> memref<4096xf32, #tpu.memory_space<hbm>>
      %dma_wait3A_236 = arith.constant 8192 : i32
      %dma_wait3A_237 = tpu.memref_slice %arg7[%dma_wait3A_236] : memref<12288xf32, #tpu.memory_space<vmem>> -> memref<4096xf32, #tpu.memory_space<vmem>>
      tpu.wait_dma2 semaphore(%run_scoped3A : memref<!tpu.dma_semaphore, #tpu.memory_space<semaphore_mem>>) src(%dma_wait3A_237 : memref<4096xf32, #tpu.memory_space<vmem>>) dst(%dma_wait3A_235 : memref<4096xf32, #tpu.memory_space<hbm>>)
      tpu.yield
    }) : () -> ()
    %mul3A_110 = arith.constant 4 : i32
    %mul3A_111 = arith.muli %add3A, %mul3A_110 : i32
    %add3A_112 = arith.constant 2 : i32
    %add3A_113 = arith.addi %mul3A_111, %add3A_112 : i32
    %jit3A_114 = arith.constant 32 : i32
    %div3A_115 = arith.divsi %add3A_113, %jit3A_114 : i32
    %sign3A_116 = arith.constant 0 : i32
    %sign3A_117 = arith.cmpi sgt, %add3A_113, %sign3A_116 : i32
    %sign3A_118 = arith.extui %sign3A_117 : i1 to i32
    %sign3A_119 = arith.constant 0 : i32
    %sign3A_120 = arith.cmpi slt, %add3A_113, %sign3A_119 : i32
    %sign3A_121 = arith.extui %sign3A_120 : i1 to i32
    %sign3A_122 = arith.subi %sign3A_118, %sign3A_121 : i32
    %sign3A_123 = arith.constant 0 : i32
    %sign3A_124 = arith.cmpi sgt, %jit3A_114, %sign3A_123 : i32
    %sign3A_125 = arith.extui %sign3A_124 : i1 to i32
    %sign3A_126 = arith.constant 0 : i32
    %sign3A_127 = arith.cmpi slt, %jit3A_114, %sign3A_126 : i32
    %sign3A_128 = arith.extui %sign3A_127 : i1 to i32
    %sign3A_129 = arith.subi %sign3A_125, %sign3A_128 : i32
    %ne3A_130 = arith.cmpi ne, %sign3A_122, %sign3A_129 : i32
    %rem3A_131 = arith.remsi %add3A_113, %jit3A_114 : i32
    %ne3A_132 = arith.constant 0 : i32
    %ne3A_133 = arith.cmpi ne, %rem3A_131, %ne3A_132 : i32
    %and3A_134 = arith.andi %ne3A_130, %ne3A_133 : i1
    %sub3A_135 = arith.constant 1 : i32
    %sub3A_136 = arith.subi %div3A_115, %sub3A_135 : i32
    %select_n3A_137 = arith.select %and3A_134, %sub3A_136, %div3A_115 : i32
    %mul3A_138 = arith.constant 3 : i32
    %mul3A_139 = arith.muli %select_n3A_137, %mul3A_138 : i32
    %mul3A_140 = arith.constant 4096 : i32
    %mul3A_141 = arith.muli %mul3A_139, %mul3A_140 : i32
    "tpu.region"() ({
      %run_scoped3A = tpu.sem_alloc : memref<!tpu.dma_semaphore, #tpu.memory_space<semaphore_mem>>
      %dma_start3A = tpu.memref_slice %arg2[%mul3A_141] : memref<49152xf32, #tpu.memory_space<hbm>> -> memref<12288xf32, #tpu.memory_space<hbm>>
      %dma_start3A_228 = tpu.memref_slice %arg2[%mul3A_141] : memref<49152xf32, #tpu.memory_space<hbm>> -> memref<12288xf32, #tpu.memory_space<hbm>>
      tpu.enqueue_dma source(%dma_start3A_228 : memref<12288xf32, #tpu.memory_space<hbm>>) target(%arg5 : memref<12288xf32, #tpu.memory_space<vmem>>) target_semaphore(%run_scoped3A : memref<!tpu.dma_semaphore, #tpu.memory_space<semaphore_mem>>)
      %dma_wait3A = tpu.memref_slice %arg2[%mul3A_141] : memref<49152xf32, #tpu.memory_space<hbm>> -> memref<12288xf32, #tpu.memory_space<hbm>>
      %dma_wait3A_229 = tpu.memref_slice %arg2[%mul3A_141] : memref<49152xf32, #tpu.memory_space<hbm>> -> memref<12288xf32, #tpu.memory_space<hbm>>
      tpu.wait_dma2 semaphore(%run_scoped3A : memref<!tpu.dma_semaphore, #tpu.memory_space<semaphore_mem>>) src(%dma_wait3A_229 : memref<12288xf32, #tpu.memory_space<hbm>>) dst(%arg5 : memref<12288xf32, #tpu.memory_space<vmem>>)
      tpu.yield
    }) : () -> ()
    %mul3A_142 = arith.constant 4096 : i32
    %mul3A_143 = arith.muli %add3A_113, %mul3A_142 : i32
    "tpu.region"() ({
      %run_scoped3A = tpu.sem_alloc : memref<!tpu.dma_semaphore, #tpu.memory_space<semaphore_mem>>
      %dma_start3A = tpu.memref_slice %arg3[%mul3A_143] : memref<524288xi32, #tpu.memory_space<hbm>> -> memref<4096xi32, #tpu.memory_space<hbm>>
      %dma_start3A_228 = tpu.memref_slice %arg3[%mul3A_143] : memref<524288xi32, #tpu.memory_space<hbm>> -> memref<4096xi32, #tpu.memory_space<hbm>>
      tpu.enqueue_dma source(%dma_start3A_228 : memref<4096xi32, #tpu.memory_space<hbm>>) target(%arg6 : memref<4096xi32, #tpu.memory_space<vmem>>) target_semaphore(%run_scoped3A : memref<!tpu.dma_semaphore, #tpu.memory_space<semaphore_mem>>)
      %dma_wait3A = tpu.memref_slice %arg3[%mul3A_143] : memref<524288xi32, #tpu.memory_space<hbm>> -> memref<4096xi32, #tpu.memory_space<hbm>>
      %dma_wait3A_229 = tpu.memref_slice %arg3[%mul3A_143] : memref<524288xi32, #tpu.memory_space<hbm>> -> memref<4096xi32, #tpu.memory_space<hbm>>
      tpu.wait_dma2 semaphore(%run_scoped3A : memref<!tpu.dma_semaphore, #tpu.memory_space<semaphore_mem>>) src(%dma_wait3A_229 : memref<4096xi32, #tpu.memory_space<hbm>>) dst(%arg6 : memref<4096xi32, #tpu.memory_space<vmem>>)
      tpu.yield
    }) : () -> ()
    %scan3A_144 = arith.constant 0 : i32
    %scan3A_145 = arith.constant 0 : i32
    %scan3A_146 = arith.constant 256 : i32
    %scan3A_147 = arith.addi %scan3A_145, %scan3A_146 : i32
    %scan3A_148 = arith.constant 1 : i32
    %scan3A_149 = scf.for %scan3A_228 = %scan3A_145 to %scan3A_147 step %scan3A_148 iter_args(%scan3A_229 = %scan3A_144) -> (i32)  : i32 {
      %mul3A_230 = arith.constant 16 : i32
      %mul3A_231 = arith.muli %scan3A_228, %mul3A_230 : i32
      %get3A = arith.index_cast %mul3A_231 : i32 to index
      %get3A_232 = tpu.vector_load %arg6[%get3A] {strides = array<i32>} : memref<4096xi32, #tpu.memory_space<vmem>>, vector<16xi32>,
      %broadcast_in_dim3A = arith.constant 0 : i32
      %broadcast_in_dim3A_233 = vector.broadcast %broadcast_in_dim3A : i32 to vector<16xi32>
      %add3A_234 = arith.addi %get3A_232, %broadcast_in_dim3A_233 : vector<16xi32>
      %gather3A = tpu.vector_load_idx %arg5[%add3A_234] : memref<12288xf32, #tpu.memory_space<vmem>>[vector<16xi32>], vector<16xf32>,
      %mul3A_235 = arith.constant 16 : i32
      %mul3A_236 = arith.muli %scan3A_228, %mul3A_235 : i32
      %add3A_237 = arith.constant 0 : i32
      %add3A_238 = arith.addi %add3A_237, %mul3A_236 : i32
      %swap3A = arith.index_cast %add3A_238 : i32 to index
      %swap3A_239 = tpu.vector_load %arg7[%swap3A] {strides = array<i32>} : memref<12288xf32, #tpu.memory_space<vmem>>, vector<16xf32>,
      tpu.vector_store %arg7[%swap3A], %gather3A {strides = array<i32>} : memref<12288xf32, #tpu.memory_space<vmem>>, vector<16xf32>,
      %broadcast_in_dim3A_240 = arith.constant 4096 : i32
      %broadcast_in_dim3A_241 = vector.broadcast %broadcast_in_dim3A_240 : i32 to vector<16xi32>
      %add3A_242 = arith.addi %get3A_232, %broadcast_in_dim3A_241 : vector<16xi32>
      %gather3A_243 = tpu.vector_load_idx %arg5[%add3A_242] : memref<12288xf32, #tpu.memory_space<vmem>>[vector<16xi32>], vector<16xf32>,
      %mul3A_244 = arith.constant 16 : i32
      %mul3A_245 = arith.muli %scan3A_228, %mul3A_244 : i32
      %add3A_246 = arith.constant 4096 : i32
      %add3A_247 = arith.addi %add3A_246, %mul3A_245 : i32
      %swap3A_248 = arith.index_cast %add3A_247 : i32 to index
      %swap3A_249 = tpu.vector_load %arg7[%swap3A_248] {strides = array<i32>} : memref<12288xf32, #tpu.memory_space<vmem>>, vector<16xf32>,
      tpu.vector_store %arg7[%swap3A_248], %gather3A_243 {strides = array<i32>} : memref<12288xf32, #tpu.memory_space<vmem>>, vector<16xf32>,
      %broadcast_in_dim3A_250 = arith.constant 8192 : i32
      %broadcast_in_dim3A_251 = vector.broadcast %broadcast_in_dim3A_250 : i32 to vector<16xi32>
      %add3A_252 = arith.addi %get3A_232, %broadcast_in_dim3A_251 : vector<16xi32>
      %gather3A_253 = tpu.vector_load_idx %arg5[%add3A_252] : memref<12288xf32, #tpu.memory_space<vmem>>[vector<16xi32>], vector<16xf32>,
      %mul3A_254 = arith.constant 16 : i32
      %mul3A_255 = arith.muli %scan3A_228, %mul3A_254 : i32
      %add3A_256 = arith.constant 8192 : i32
      %add3A_257 = arith.addi %add3A_256, %mul3A_255 : i32
      %swap3A_258 = arith.index_cast %add3A_257 : i32 to index
      %swap3A_259 = tpu.vector_load %arg7[%swap3A_258] {strides = array<i32>} : memref<12288xf32, #tpu.memory_space<vmem>>, vector<16xf32>,
      tpu.vector_store %arg7[%swap3A_258], %gather3A_253 {strides = array<i32>} : memref<12288xf32, #tpu.memory_space<vmem>>, vector<16xf32>,
      %scan3A_260 = arith.constant 0 : i32
      scf.yield %scan3A_260 : i32
    }
    %scan3A_150 = arith.constant 256 : i32
    %mul3A_151 = arith.constant 3 : i32
    %mul3A_152 = arith.muli %add3A_113, %mul3A_151 : i32
    %add3A_153 = arith.constant 0 : i32
    %add3A_154 = arith.addi %mul3A_152, %add3A_153 : i32
    %mul3A_155 = arith.constant 4096 : i32
    %mul3A_156 = arith.muli %add3A_154, %mul3A_155 : i32
    "tpu.region"() ({
      %run_scoped3A = tpu.sem_alloc : memref<!tpu.dma_semaphore, #tpu.memory_space<semaphore_mem>>
      %dma_start3A = arith.constant 0 : i32
      %dma_start3A_228 = tpu.memref_slice %arg7[%dma_start3A] : memref<12288xf32, #tpu.memory_space<vmem>> -> memref<4096xf32, #tpu.memory_space<vmem>>
      %dma_start3A_229 = tpu.memref_slice %arg4[%mul3A_156] : memref<1572864xf32, #tpu.memory_space<hbm>> -> memref<4096xf32, #tpu.memory_space<hbm>>
      %dma_start3A_230 = tpu.memref_slice %arg4[%mul3A_156] : memref<1572864xf32, #tpu.memory_space<hbm>> -> memref<4096xf32, #tpu.memory_space<hbm>>
      %dma_start3A_231 = arith.constant 0 : i32
      %dma_start3A_232 = tpu.memref_slice %arg7[%dma_start3A_231] : memref<12288xf32, #tpu.memory_space<vmem>> -> memref<4096xf32, #tpu.memory_space<vmem>>
      tpu.enqueue_dma source(%dma_start3A_232 : memref<4096xf32, #tpu.memory_space<vmem>>) target(%dma_start3A_230 : memref<4096xf32, #tpu.memory_space<hbm>>) target_semaphore(%run_scoped3A : memref<!tpu.dma_semaphore, #tpu.memory_space<semaphore_mem>>)
      %dma_wait3A = arith.constant 0 : i32
      %dma_wait3A_233 = tpu.memref_slice %arg7[%dma_wait3A] : memref<12288xf32, #tpu.memory_space<vmem>> -> memref<4096xf32, #tpu.memory_space<vmem>>
      %dma_wait3A_234 = tpu.memref_slice %arg4[%mul3A_156] : memref<1572864xf32, #tpu.memory_space<hbm>> -> memref<4096xf32, #tpu.memory_space<hbm>>
      %dma_wait3A_235 = tpu.memref_slice %arg4[%mul3A_156] : memref<1572864xf32, #tpu.memory_space<hbm>> -> memref<4096xf32, #tpu.memory_space<hbm>>
      %dma_wait3A_236 = arith.constant 0 : i32
      %dma_wait3A_237 = tpu.memref_slice %arg7[%dma_wait3A_236] : memref<12288xf32, #tpu.memory_space<vmem>> -> memref<4096xf32, #tpu.memory_space<vmem>>
      tpu.wait_dma2 semaphore(%run_scoped3A : memref<!tpu.dma_semaphore, #tpu.memory_space<semaphore_mem>>) src(%dma_wait3A_237 : memref<4096xf32, #tpu.memory_space<vmem>>) dst(%dma_wait3A_235 : memref<4096xf32, #tpu.memory_space<hbm>>)
      tpu.yield
    }) : () -> ()
    %mul3A_157 = arith.constant 3 : i32
    %mul3A_158 = arith.muli %add3A_113, %mul3A_157 : i32
    %add3A_159 = arith.constant 1 : i32
    %add3A_160 = arith.addi %mul3A_158, %add3A_159 : i32
    %mul3A_161 = arith.constant 4096 : i32
    %mul3A_162 = arith.muli %add3A_160, %mul3A_161 : i32
    "tpu.region"() ({
      %run_scoped3A = tpu.sem_alloc : memref<!tpu.dma_semaphore, #tpu.memory_space<semaphore_mem>>
      %dma_start3A = arith.constant 4096 : i32
      %dma_start3A_228 = tpu.memref_slice %arg7[%dma_start3A] : memref<12288xf32, #tpu.memory_space<vmem>> -> memref<4096xf32, #tpu.memory_space<vmem>>
      %dma_start3A_229 = tpu.memref_slice %arg4[%mul3A_162] : memref<1572864xf32, #tpu.memory_space<hbm>> -> memref<4096xf32, #tpu.memory_space<hbm>>
      %dma_start3A_230 = tpu.memref_slice %arg4[%mul3A_162] : memref<1572864xf32, #tpu.memory_space<hbm>> -> memref<4096xf32, #tpu.memory_space<hbm>>
      %dma_start3A_231 = arith.constant 4096 : i32
      %dma_start3A_232 = tpu.memref_slice %arg7[%dma_start3A_231] : memref<12288xf32, #tpu.memory_space<vmem>> -> memref<4096xf32, #tpu.memory_space<vmem>>
      tpu.enqueue_dma source(%dma_start3A_232 : memref<4096xf32, #tpu.memory_space<vmem>>) target(%dma_start3A_230 : memref<4096xf32, #tpu.memory_space<hbm>>) target_semaphore(%run_scoped3A : memref<!tpu.dma_semaphore, #tpu.memory_space<semaphore_mem>>)
      %dma_wait3A = arith.constant 4096 : i32
      %dma_wait3A_233 = tpu.memref_slice %arg7[%dma_wait3A] : memref<12288xf32, #tpu.memory_space<vmem>> -> memref<4096xf32, #tpu.memory_space<vmem>>
      %dma_wait3A_234 = tpu.memref_slice %arg4[%mul3A_162] : memref<1572864xf32, #tpu.memory_space<hbm>> -> memref<4096xf32, #tpu.memory_space<hbm>>
      %dma_wait3A_235 = tpu.memref_slice %arg4[%mul3A_162] : memref<1572864xf32, #tpu.memory_space<hbm>> -> memref<4096xf32, #tpu.memory_space<hbm>>
      %dma_wait3A_236 = arith.constant 4096 : i32
      %dma_wait3A_237 = tpu.memref_slice %arg7[%dma_wait3A_236] : memref<12288xf32, #tpu.memory_space<vmem>> -> memref<4096xf32, #tpu.memory_space<vmem>>
      tpu.wait_dma2 semaphore(%run_scoped3A : memref<!tpu.dma_semaphore, #tpu.memory_space<semaphore_mem>>) src(%dma_wait3A_237 : memref<4096xf32, #tpu.memory_space<vmem>>) dst(%dma_wait3A_235 : memref<4096xf32, #tpu.memory_space<hbm>>)
      tpu.yield
    }) : () -> ()
    %mul3A_163 = arith.constant 3 : i32
    %mul3A_164 = arith.muli %add3A_113, %mul3A_163 : i32
    %add3A_165 = arith.constant 2 : i32
    %add3A_166 = arith.addi %mul3A_164, %add3A_165 : i32
    %mul3A_167 = arith.constant 4096 : i32
    %mul3A_168 = arith.muli %add3A_166, %mul3A_167 : i32
    "tpu.region"() ({
      %run_scoped3A = tpu.sem_alloc : memref<!tpu.dma_semaphore, #tpu.memory_space<semaphore_mem>>
      %dma_start3A = arith.constant 8192 : i32
      %dma_start3A_228 = tpu.memref_slice %arg7[%dma_start3A] : memref<12288xf32, #tpu.memory_space<vmem>> -> memref<4096xf32, #tpu.memory_space<vmem>>
      %dma_start3A_229 = tpu.memref_slice %arg4[%mul3A_168] : memref<1572864xf32, #tpu.memory_space<hbm>> -> memref<4096xf32, #tpu.memory_space<hbm>>
      %dma_start3A_230 = tpu.memref_slice %arg4[%mul3A_168] : memref<1572864xf32, #tpu.memory_space<hbm>> -> memref<4096xf32, #tpu.memory_space<hbm>>
      %dma_start3A_231 = arith.constant 8192 : i32
      %dma_start3A_232 = tpu.memref_slice %arg7[%dma_start3A_231] : memref<12288xf32, #tpu.memory_space<vmem>> -> memref<4096xf32, #tpu.memory_space<vmem>>
      tpu.enqueue_dma source(%dma_start3A_232 : memref<4096xf32, #tpu.memory_space<vmem>>) target(%dma_start3A_230 : memref<4096xf32, #tpu.memory_space<hbm>>) target_semaphore(%run_scoped3A : memref<!tpu.dma_semaphore, #tpu.memory_space<semaphore_mem>>)
      %dma_wait3A = arith.constant 8192 : i32
      %dma_wait3A_233 = tpu.memref_slice %arg7[%dma_wait3A] : memref<12288xf32, #tpu.memory_space<vmem>> -> memref<4096xf32, #tpu.memory_space<vmem>>
      %dma_wait3A_234 = tpu.memref_slice %arg4[%mul3A_168] : memref<1572864xf32, #tpu.memory_space<hbm>> -> memref<4096xf32, #tpu.memory_space<hbm>>
      %dma_wait3A_235 = tpu.memref_slice %arg4[%mul3A_168] : memref<1572864xf32, #tpu.memory_space<hbm>> -> memref<4096xf32, #tpu.memory_space<hbm>>
      %dma_wait3A_236 = arith.constant 8192 : i32
      %dma_wait3A_237 = tpu.memref_slice %arg7[%dma_wait3A_236] : memref<12288xf32, #tpu.memory_space<vmem>> -> memref<4096xf32, #tpu.memory_space<vmem>>
      tpu.wait_dma2 semaphore(%run_scoped3A : memref<!tpu.dma_semaphore, #tpu.memory_space<semaphore_mem>>) src(%dma_wait3A_237 : memref<4096xf32, #tpu.memory_space<vmem>>) dst(%dma_wait3A_235 : memref<4096xf32, #tpu.memory_space<hbm>>)
      tpu.yield
    }) : () -> ()
    %mul3A_169 = arith.constant 4 : i32
    %mul3A_170 = arith.muli %add3A, %mul3A_169 : i32
    %add3A_171 = arith.constant 3 : i32
    %add3A_172 = arith.addi %mul3A_170, %add3A_171 : i32
    %jit3A_173 = arith.constant 32 : i32
    %div3A_174 = arith.divsi %add3A_172, %jit3A_173 : i32
    %sign3A_175 = arith.constant 0 : i32
    %sign3A_176 = arith.cmpi sgt, %add3A_172, %sign3A_175 : i32
    %sign3A_177 = arith.extui %sign3A_176 : i1 to i32
    %sign3A_178 = arith.constant 0 : i32
    %sign3A_179 = arith.cmpi slt, %add3A_172, %sign3A_178 : i32
    %sign3A_180 = arith.extui %sign3A_179 : i1 to i32
    %sign3A_181 = arith.subi %sign3A_177, %sign3A_180 : i32
    %sign3A_182 = arith.constant 0 : i32
    %sign3A_183 = arith.cmpi sgt, %jit3A_173, %sign3A_182 : i32
    %sign3A_184 = arith.extui %sign3A_183 : i1 to i32
    %sign3A_185 = arith.constant 0 : i32
    %sign3A_186 = arith.cmpi slt, %jit3A_173, %sign3A_185 : i32
    %sign3A_187 = arith.extui %sign3A_186 : i1 to i32
    %sign3A_188 = arith.subi %sign3A_184, %sign3A_187 : i32
    %ne3A_189 = arith.cmpi ne, %sign3A_181, %sign3A_188 : i32
    %rem3A_190 = arith.remsi %add3A_172, %jit3A_173 : i32
    %ne3A_191 = arith.constant 0 : i32
    %ne3A_192 = arith.cmpi ne, %rem3A_190, %ne3A_191 : i32
    %and3A_193 = arith.andi %ne3A_189, %ne3A_192 : i1
    %sub3A_194 = arith.constant 1 : i32
    %sub3A_195 = arith.subi %div3A_174, %sub3A_194 : i32
    %select_n3A_196 = arith.select %and3A_193, %sub3A_195, %div3A_174 : i32
    %mul3A_197 = arith.constant 3 : i32
    %mul3A_198 = arith.muli %select_n3A_196, %mul3A_197 : i32
    %mul3A_199 = arith.constant 4096 : i32
    %mul3A_200 = arith.muli %mul3A_198, %mul3A_199 : i32
    "tpu.region"() ({
      %run_scoped3A = tpu.sem_alloc : memref<!tpu.dma_semaphore, #tpu.memory_space<semaphore_mem>>
      %dma_start3A = tpu.memref_slice %arg2[%mul3A_200] : memref<49152xf32, #tpu.memory_space<hbm>> -> memref<12288xf32, #tpu.memory_space<hbm>>
      %dma_start3A_228 = tpu.memref_slice %arg2[%mul3A_200] : memref<49152xf32, #tpu.memory_space<hbm>> -> memref<12288xf32, #tpu.memory_space<hbm>>
      tpu.enqueue_dma source(%dma_start3A_228 : memref<12288xf32, #tpu.memory_space<hbm>>) target(%arg5 : memref<12288xf32, #tpu.memory_space<vmem>>) target_semaphore(%run_scoped3A : memref<!tpu.dma_semaphore, #tpu.memory_space<semaphore_mem>>)
      %dma_wait3A = tpu.memref_slice %arg2[%mul3A_200] : memref<49152xf32, #tpu.memory_space<hbm>> -> memref<12288xf32, #tpu.memory_space<hbm>>
      %dma_wait3A_229 = tpu.memref_slice %arg2[%mul3A_200] : memref<49152xf32, #tpu.memory_space<hbm>> -> memref<12288xf32, #tpu.memory_space<hbm>>
      tpu.wait_dma2 semaphore(%run_scoped3A : memref<!tpu.dma_semaphore, #tpu.memory_space<semaphore_mem>>) src(%dma_wait3A_229 : memref<12288xf32, #tpu.memory_space<hbm>>) dst(%arg5 : memref<12288xf32, #tpu.memory_space<vmem>>)
      tpu.yield
    }) : () -> ()
    %mul3A_201 = arith.constant 4096 : i32
    %mul3A_202 = arith.muli %add3A_172, %mul3A_201 : i32
    "tpu.region"() ({
      %run_scoped3A = tpu.sem_alloc : memref<!tpu.dma_semaphore, #tpu.memory_space<semaphore_mem>>
      %dma_start3A = tpu.memref_slice %arg3[%mul3A_202] : memref<524288xi32, #tpu.memory_space<hbm>> -> memref<4096xi32, #tpu.memory_space<hbm>>
      %dma_start3A_228 = tpu.memref_slice %arg3[%mul3A_202] : memref<524288xi32, #tpu.memory_space<hbm>> -> memref<4096xi32, #tpu.memory_space<hbm>>
      tpu.enqueue_dma source(%dma_start3A_228 : memref<4096xi32, #tpu.memory_space<hbm>>) target(%arg6 : memref<4096xi32, #tpu.memory_space<vmem>>) target_semaphore(%run_scoped3A : memref<!tpu.dma_semaphore, #tpu.memory_space<semaphore_mem>>)
      %dma_wait3A = tpu.memref_slice %arg3[%mul3A_202] : memref<524288xi32, #tpu.memory_space<hbm>> -> memref<4096xi32, #tpu.memory_space<hbm>>
      %dma_wait3A_229 = tpu.memref_slice %arg3[%mul3A_202] : memref<524288xi32, #tpu.memory_space<hbm>> -> memref<4096xi32, #tpu.memory_space<hbm>>
      tpu.wait_dma2 semaphore(%run_scoped3A : memref<!tpu.dma_semaphore, #tpu.memory_space<semaphore_mem>>) src(%dma_wait3A_229 : memref<4096xi32, #tpu.memory_space<hbm>>) dst(%arg6 : memref<4096xi32, #tpu.memory_space<vmem>>)
      tpu.yield
    }) : () -> ()
    %scan3A_203 = arith.constant 0 : i32
    %scan3A_204 = arith.constant 0 : i32
    %scan3A_205 = arith.constant 256 : i32
    %scan3A_206 = arith.addi %scan3A_204, %scan3A_205 : i32
    %scan3A_207 = arith.constant 1 : i32
    %scan3A_208 = scf.for %scan3A_228 = %scan3A_204 to %scan3A_206 step %scan3A_207 iter_args(%scan3A_229 = %scan3A_203) -> (i32)  : i32 {
      %mul3A_230 = arith.constant 16 : i32
      %mul3A_231 = arith.muli %scan3A_228, %mul3A_230 : i32
      %get3A = arith.index_cast %mul3A_231 : i32 to index
      %get3A_232 = tpu.vector_load %arg6[%get3A] {strides = array<i32>} : memref<4096xi32, #tpu.memory_space<vmem>>, vector<16xi32>,
      %broadcast_in_dim3A = arith.constant 0 : i32
      %broadcast_in_dim3A_233 = vector.broadcast %broadcast_in_dim3A : i32 to vector<16xi32>
      %add3A_234 = arith.addi %get3A_232, %broadcast_in_dim3A_233 : vector<16xi32>
      %gather3A = tpu.vector_load_idx %arg5[%add3A_234] : memref<12288xf32, #tpu.memory_space<vmem>>[vector<16xi32>], vector<16xf32>,
      %mul3A_235 = arith.constant 16 : i32
      %mul3A_236 = arith.muli %scan3A_228, %mul3A_235 : i32
      %add3A_237 = arith.constant 0 : i32
      %add3A_238 = arith.addi %add3A_237, %mul3A_236 : i32
      %swap3A = arith.index_cast %add3A_238 : i32 to index
      %swap3A_239 = tpu.vector_load %arg7[%swap3A] {strides = array<i32>} : memref<12288xf32, #tpu.memory_space<vmem>>, vector<16xf32>,
      tpu.vector_store %arg7[%swap3A], %gather3A {strides = array<i32>} : memref<12288xf32, #tpu.memory_space<vmem>>, vector<16xf32>,
      %broadcast_in_dim3A_240 = arith.constant 4096 : i32
      %broadcast_in_dim3A_241 = vector.broadcast %broadcast_in_dim3A_240 : i32 to vector<16xi32>
      %add3A_242 = arith.addi %get3A_232, %broadcast_in_dim3A_241 : vector<16xi32>
      %gather3A_243 = tpu.vector_load_idx %arg5[%add3A_242] : memref<12288xf32, #tpu.memory_space<vmem>>[vector<16xi32>], vector<16xf32>,
      %mul3A_244 = arith.constant 16 : i32
      %mul3A_245 = arith.muli %scan3A_228, %mul3A_244 : i32
      %add3A_246 = arith.constant 4096 : i32
      %add3A_247 = arith.addi %add3A_246, %mul3A_245 : i32
      %swap3A_248 = arith.index_cast %add3A_247 : i32 to index
      %swap3A_249 = tpu.vector_load %arg7[%swap3A_248] {strides = array<i32>} : memref<12288xf32, #tpu.memory_space<vmem>>, vector<16xf32>,
      tpu.vector_store %arg7[%swap3A_248], %gather3A_243 {strides = array<i32>} : memref<12288xf32, #tpu.memory_space<vmem>>, vector<16xf32>,
      %broadcast_in_dim3A_250 = arith.constant 8192 : i32
      %broadcast_in_dim3A_251 = vector.broadcast %broadcast_in_dim3A_250 : i32 to vector<16xi32>
      %add3A_252 = arith.addi %get3A_232, %broadcast_in_dim3A_251 : vector<16xi32>
      %gather3A_253 = tpu.vector_load_idx %arg5[%add3A_252] : memref<12288xf32, #tpu.memory_space<vmem>>[vector<16xi32>], vector<16xf32>,
      %mul3A_254 = arith.constant 16 : i32
      %mul3A_255 = arith.muli %scan3A_228, %mul3A_254 : i32
      %add3A_256 = arith.constant 8192 : i32
      %add3A_257 = arith.addi %add3A_256, %mul3A_255 : i32
      %swap3A_258 = arith.index_cast %add3A_257 : i32 to index
      %swap3A_259 = tpu.vector_load %arg7[%swap3A_258] {strides = array<i32>} : memref<12288xf32, #tpu.memory_space<vmem>>, vector<16xf32>,
      tpu.vector_store %arg7[%swap3A_258], %gather3A_253 {strides = array<i32>} : memref<12288xf32, #tpu.memory_space<vmem>>, vector<16xf32>,
      %scan3A_260 = arith.constant 0 : i32
      scf.yield %scan3A_260 : i32
    }
    %scan3A_209 = arith.constant 256 : i32
    %mul3A_210 = arith.constant 3 : i32
    %mul3A_211 = arith.muli %add3A_172, %mul3A_210 : i32
    %add3A_212 = arith.constant 0 : i32
    %add3A_213 = arith.addi %mul3A_211, %add3A_212 : i32
    %mul3A_214 = arith.constant 4096 : i32
    %mul3A_215 = arith.muli %add3A_213, %mul3A_214 : i32
    "tpu.region"() ({
      %run_scoped3A = tpu.sem_alloc : memref<!tpu.dma_semaphore, #tpu.memory_space<semaphore_mem>>
      %dma_start3A = arith.constant 0 : i32
      %dma_start3A_228 = tpu.memref_slice %arg7[%dma_start3A] : memref<12288xf32, #tpu.memory_space<vmem>> -> memref<4096xf32, #tpu.memory_space<vmem>>
      %dma_start3A_229 = tpu.memref_slice %arg4[%mul3A_215] : memref<1572864xf32, #tpu.memory_space<hbm>> -> memref<4096xf32, #tpu.memory_space<hbm>>
      %dma_start3A_230 = tpu.memref_slice %arg4[%mul3A_215] : memref<1572864xf32, #tpu.memory_space<hbm>> -> memref<4096xf32, #tpu.memory_space<hbm>>
      %dma_start3A_231 = arith.constant 0 : i32
      %dma_start3A_232 = tpu.memref_slice %arg7[%dma_start3A_231] : memref<12288xf32, #tpu.memory_space<vmem>> -> memref<4096xf32, #tpu.memory_space<vmem>>
      tpu.enqueue_dma source(%dma_start3A_232 : memref<4096xf32, #tpu.memory_space<vmem>>) target(%dma_start3A_230 : memref<4096xf32, #tpu.memory_space<hbm>>) target_semaphore(%run_scoped3A : memref<!tpu.dma_semaphore, #tpu.memory_space<semaphore_mem>>)
      %dma_wait3A = arith.constant 0 : i32
      %dma_wait3A_233 = tpu.memref_slice %arg7[%dma_wait3A] : memref<12288xf32, #tpu.memory_space<vmem>> -> memref<4096xf32, #tpu.memory_space<vmem>>
      %dma_wait3A_234 = tpu.memref_slice %arg4[%mul3A_215] : memref<1572864xf32, #tpu.memory_space<hbm>> -> memref<4096xf32, #tpu.memory_space<hbm>>
      %dma_wait3A_235 = tpu.memref_slice %arg4[%mul3A_215] : memref<1572864xf32, #tpu.memory_space<hbm>> -> memref<4096xf32, #tpu.memory_space<hbm>>
      %dma_wait3A_236 = arith.constant 0 : i32
      %dma_wait3A_237 = tpu.memref_slice %arg7[%dma_wait3A_236] : memref<12288xf32, #tpu.memory_space<vmem>> -> memref<4096xf32, #tpu.memory_space<vmem>>
      tpu.wait_dma2 semaphore(%run_scoped3A : memref<!tpu.dma_semaphore, #tpu.memory_space<semaphore_mem>>) src(%dma_wait3A_237 : memref<4096xf32, #tpu.memory_space<vmem>>) dst(%dma_wait3A_235 : memref<4096xf32, #tpu.memory_space<hbm>>)
      tpu.yield
    }) : () -> ()
    %mul3A_216 = arith.constant 3 : i32
    %mul3A_217 = arith.muli %add3A_172, %mul3A_216 : i32
    %add3A_218 = arith.constant 1 : i32
    %add3A_219 = arith.addi %mul3A_217, %add3A_218 : i32
    %mul3A_220 = arith.constant 4096 : i32
    %mul3A_221 = arith.muli %add3A_219, %mul3A_220 : i32
    "tpu.region"() ({
      %run_scoped3A = tpu.sem_alloc : memref<!tpu.dma_semaphore, #tpu.memory_space<semaphore_mem>>
      %dma_start3A = arith.constant 4096 : i32
      %dma_start3A_228 = tpu.memref_slice %arg7[%dma_start3A] : memref<12288xf32, #tpu.memory_space<vmem>> -> memref<4096xf32, #tpu.memory_space<vmem>>
      %dma_start3A_229 = tpu.memref_slice %arg4[%mul3A_221] : memref<1572864xf32, #tpu.memory_space<hbm>> -> memref<4096xf32, #tpu.memory_space<hbm>>
      %dma_start3A_230 = tpu.memref_slice %arg4[%mul3A_221] : memref<1572864xf32, #tpu.memory_space<hbm>> -> memref<4096xf32, #tpu.memory_space<hbm>>
      %dma_start3A_231 = arith.constant 4096 : i32
      %dma_start3A_232 = tpu.memref_slice %arg7[%dma_start3A_231] : memref<12288xf32, #tpu.memory_space<vmem>> -> memref<4096xf32, #tpu.memory_space<vmem>>
      tpu.enqueue_dma source(%dma_start3A_232 : memref<4096xf32, #tpu.memory_space<vmem>>) target(%dma_start3A_230 : memref<4096xf32, #tpu.memory_space<hbm>>) target_semaphore(%run_scoped3A : memref<!tpu.dma_semaphore, #tpu.memory_space<semaphore_mem>>)
      %dma_wait3A = arith.constant 4096 : i32
      %dma_wait3A_233 = tpu.memref_slice %arg7[%dma_wait3A] : memref<12288xf32, #tpu.memory_space<vmem>> -> memref<4096xf32, #tpu.memory_space<vmem>>
      %dma_wait3A_234 = tpu.memref_slice %arg4[%mul3A_221] : memref<1572864xf32, #tpu.memory_space<hbm>> -> memref<4096xf32, #tpu.memory_space<hbm>>
      %dma_wait3A_235 = tpu.memref_slice %arg4[%mul3A_221] : memref<1572864xf32, #tpu.memory_space<hbm>> -> memref<4096xf32, #tpu.memory_space<hbm>>
      %dma_wait3A_236 = arith.constant 4096 : i32
      %dma_wait3A_237 = tpu.memref_slice %arg7[%dma_wait3A_236] : memref<12288xf32, #tpu.memory_space<vmem>> -> memref<4096xf32, #tpu.memory_space<vmem>>
      tpu.wait_dma2 semaphore(%run_scoped3A : memref<!tpu.dma_semaphore, #tpu.memory_space<semaphore_mem>>) src(%dma_wait3A_237 : memref<4096xf32, #tpu.memory_space<vmem>>) dst(%dma_wait3A_235 : memref<4096xf32, #tpu.memory_space<hbm>>)
      tpu.yield
    }) : () -> ()
    %mul3A_222 = arith.constant 3 : i32
    %mul3A_223 = arith.muli %add3A_172, %mul3A_222 : i32
    %add3A_224 = arith.constant 2 : i32
    %add3A_225 = arith.addi %mul3A_223, %add3A_224 : i32
    %mul3A_226 = arith.constant 4096 : i32
    %mul3A_227 = arith.muli %add3A_225, %mul3A_226 : i32
    "tpu.region"() ({
      %run_scoped3A = tpu.sem_alloc : memref<!tpu.dma_semaphore, #tpu.memory_space<semaphore_mem>>
      %dma_start3A = arith.constant 8192 : i32
      %dma_start3A_228 = tpu.memref_slice %arg7[%dma_start3A] : memref<12288xf32, #tpu.memory_space<vmem>> -> memref<4096xf32, #tpu.memory_space<vmem>>
      %dma_start3A_229 = tpu.memref_slice %arg4[%mul3A_227] : memref<1572864xf32, #tpu.memory_space<hbm>> -> memref<4096xf32, #tpu.memory_space<hbm>>
      %dma_start3A_230 = tpu.memref_slice %arg4[%mul3A_227] : memref<1572864xf32, #tpu.memory_space<hbm>> -> memref<4096xf32, #tpu.memory_space<hbm>>
      %dma_start3A_231 = arith.constant 8192 : i32
      %dma_start3A_232 = tpu.memref_slice %arg7[%dma_start3A_231] : memref<12288xf32, #tpu.memory_space<vmem>> -> memref<4096xf32, #tpu.memory_space<vmem>>
      tpu.enqueue_dma source(%dma_start3A_232 : memref<4096xf32, #tpu.memory_space<vmem>>) target(%dma_start3A_230 : memref<4096xf32, #tpu.memory_space<hbm>>) target_semaphore(%run_scoped3A : memref<!tpu.dma_semaphore, #tpu.memory_space<semaphore_mem>>)
      %dma_wait3A = arith.constant 8192 : i32
      %dma_wait3A_233 = tpu.memref_slice %arg7[%dma_wait3A] : memref<12288xf32, #tpu.memory_space<vmem>> -> memref<4096xf32, #tpu.memory_space<vmem>>
      %dma_wait3A_234 = tpu.memref_slice %arg4[%mul3A_227] : memref<1572864xf32, #tpu.memory_space<hbm>> -> memref<4096xf32, #tpu.memory_space<hbm>>
      %dma_wait3A_235 = tpu.memref_slice %arg4[%mul3A_227] : memref<1572864xf32, #tpu.memory_space<hbm>> -> memref<4096xf32, #tpu.memory_space<hbm>>
      %dma_wait3A_236 = arith.constant 8192 : i32
      %dma_wait3A_237 = tpu.memref_slice %arg7[%dma_wait3A_236] : memref<12288xf32, #tpu.memory_space<vmem>> -> memref<4096xf32, #tpu.memory_space<vmem>>
      tpu.wait_dma2 semaphore(%run_scoped3A : memref<!tpu.dma_semaphore, #tpu.memory_space<semaphore_mem>>) src(%dma_wait3A_237 : memref<4096xf32, #tpu.memory_space<vmem>>) dst(%dma_wait3A_235 : memref<4096xf32, #tpu.memory_space<hbm>>)
      tpu.yield
    }) : () -> ()
    return
  }
}

module attributes {stable_mosaic.version = 14 : i64} {
  func.func @_topk_body(%arg0: i32, %arg1: i32, %arg2: memref<1x3x4096xf32, #tpu.memory_space<vmem>>, %arg3: memref<1x3x512xf32, #tpu.memory_space<vmem>>, %arg4: memref<1x32x512xi32, #tpu.memory_space<vmem>>) attributes {dimension_semantics = [#tpu.dimension_semantics<arbitrary>, #tpu.dimension_semantics<arbitrary>], iteration_bounds = array<i64: 4, 8>, scalar_prefetch = 0 : i64, scratch_operands = 0 : i64, tpu.core_type = #tpu.core_type<tc>, window_params = [{transform_indices = @transform_0, window_bounds = array<i64: 1, 3, 4096>}, {transform_indices = @transform_1, window_bounds = array<i64: 1, 3, 512>}, {transform_indices = @transform_2, window_bounds = array<i64: 1, 32, 512>}]} {
    %get3A = arith.constant 0 : index
    %get3A_0 = arith.constant 0 : index
    %get3A_1 = arith.constant 0 : index
    %get3A_2 = vector.load %arg2[%get3A, %get3A_0, %get3A_1] : memref<1x3x4096xf32, #tpu.memory_space<vmem>>, vector<1x3x4096xf32>
    %get3A_3 = vector.shape_cast %get3A_2 : vector<1x3x4096xf32> to vector<3x4096xf32>
    %get3A_4 = arith.constant 0 : index
    %get3A_5 = arith.constant 0 : index
    %get3A_6 = arith.constant 0 : index
    %get3A_7 = vector.load %arg3[%get3A_4, %get3A_5, %get3A_6] : memref<1x3x512xf32, #tpu.memory_space<vmem>>, vector<1x3x512xf32>
    %get3A_8 = vector.shape_cast %get3A_7 : vector<1x3x512xf32> to vector<3x512xf32>
    %mul3A = arith.mulf %get3A_3, %get3A_3 : vector<3x4096xf32>
    %reduce_sum3A = arith.constant dense<0.000000e+00> : vector<4096xf32>
    %reduce_sum3A_9 = vector.multi_reduction <add>, %mul3A, %reduce_sum3A [0] : vector<3x4096xf32> to vector<4096xf32>
    %broadcast_in_dim3A = vector.shape_cast %reduce_sum3A_9 : vector<4096xf32> to vector<1x4096xf32>
    %mul3A_10 = arith.mulf %get3A_8, %get3A_8 : vector<3x512xf32>
    %reduce_sum3A_11 = arith.constant dense<0.000000e+00> : vector<512xf32>
    %reduce_sum3A_12 = vector.multi_reduction <add>, %mul3A_10, %reduce_sum3A_11 [0] : vector<3x512xf32> to vector<512xf32>
    %broadcast_in_dim3A_13 = vector.shape_cast %reduce_sum3A_12 : vector<512xf32> to vector<1x512xf32>
    %dot_general3A = arith.constant dense<0.000000e+00> : vector<4096x512xf32>
    %dot_general3A_14 = tpu.matmul %get3A_3, %get3A_8, %dot_general3A {dimension_numbers = #tpu.dot_dimension_numbers<[0], [0], [1], [1], [0, 1, 1, 1], [], []>, transpose_lhs_hint = false} : vector<3x4096xf32>, vector<3x512xf32>, vector<4096x512xf32> -> vector<4096x512xf32>
    %mul3A_15 = arith.constant 2.000000e+00 : f32
    %mul3A_16 = vector.broadcast %mul3A_15 : f32 to vector<4096x512xf32>
    %mul3A_17 = arith.mulf %mul3A_16, %dot_general3A_14 : vector<4096x512xf32>
    %transpose3A = tpu.transpose %broadcast_in_dim3A, [1, 0] : vector<1x4096xf32> -> vector<4096x1xf32>
    %sub3A = vector.broadcast %transpose3A : vector<4096x1xf32> to vector<4096x512xf32>
    %sub3A_18 = arith.subf %mul3A_17, %sub3A : vector<4096x512xf32>
    %sub3A_19 = vector.broadcast %broadcast_in_dim3A_13 : vector<1x512xf32> to vector<4096x512xf32>
    %sub3A_20 = arith.subf %sub3A_18, %sub3A_19 : vector<4096x512xf32>
    %iota3A = tpu.iota {dimensions = array<i32: 0>} : vector<4096x512xi32>
    %iota3A_21 = tpu.iota {dimensions = array<i32: 0>} : vector<32x512xi32>
    %broadcast_in_dim3A_22 = arith.constant 0 : i32
    %broadcast_in_dim3A_23 = vector.broadcast %broadcast_in_dim3A_22 : i32 to vector<32x512xi32>
    %broadcast_in_dim3A_24 = arith.constant 3.000000e+38 : f32
    %broadcast_in_dim3A_25 = vector.broadcast %broadcast_in_dim3A_24 : f32 to vector<1x512xf32>
    %scan3A = arith.constant -3.000000e+38 : f32
    %scan3A_26 = arith.constant 0 : i32
    %scan3A_27 = arith.constant 33 : i32
    %scan3A_28 = arith.addi %scan3A_26, %scan3A_27 : i32
    %scan3A_29 = arith.constant 1 : i32
    %scan3A_30:2 = scf.for %scan3A_37 = %scan3A_26 to %scan3A_28 step %scan3A_29 iter_args(%scan3A_38 = %broadcast_in_dim3A_25, %scan3A_39 = %broadcast_in_dim3A_23) -> (vector<1x512xf32>, vector<32x512xi32>)  : i32 {
      %lt3A = vector.broadcast %scan3A_38 : vector<1x512xf32> to vector<4096x512xf32>
      %lt3A_40 = arith.cmpf olt, %sub3A_20, %lt3A : vector<4096x512xf32>
      %broadcast_in_dim3A_41 = vector.broadcast %scan3A : f32 to vector<4096x512xf32>
      %select_n3A = arith.select %lt3A_40, %sub3A_20, %broadcast_in_dim3A_41 : vector<4096x512xi1>, vector<4096x512xf32>
      %reduce_max3A = arith.constant dense<0xFF800000> : vector<512xf32>
      %reduce_max3A_42 = vector.multi_reduction <maximumf>, %select_n3A, %reduce_max3A [0] : vector<4096x512xf32> to vector<512xf32>
      %broadcast_in_dim3A_43 = vector.shape_cast %reduce_max3A_42 : vector<512xf32> to vector<1x512xf32>
      %eq3A = vector.broadcast %scan3A_38 : vector<1x512xf32> to vector<4096x512xf32>
      %eq3A_44 = arith.cmpf oeq, %sub3A_20, %eq3A : vector<4096x512xf32>
      %jit3A = arith.constant 4096 : i32
      %broadcast_in_dim3A_45 = vector.broadcast %jit3A : i32 to vector<4096x512xi32>
      %select_n3A_46 = arith.select %eq3A_44, %iota3A, %broadcast_in_dim3A_45 : vector<4096x512xi1>, vector<4096x512xi32>
      %reduce_min3A = arith.constant dense<2147483647> : vector<512xi32>
      %reduce_min3A_47 = vector.multi_reduction <minsi>, %select_n3A_46, %reduce_min3A [0] : vector<4096x512xi32> to vector<512xi32>
      %broadcast_in_dim3A_48 = vector.shape_cast %reduce_min3A_47 : vector<512xi32> to vector<1x512xi32>
      %sub3A_49 = arith.constant 1 : i32
      %sub3A_50 = arith.subi %scan3A_37, %sub3A_49 : i32
      %eq3A_51 = vector.broadcast %sub3A_50 : i32 to vector<32x512xi32>
      %eq3A_52 = arith.cmpi eq, %iota3A_21, %eq3A_51 : vector<32x512xi32>
      %broadcast_in_dim3A_53 = vector.shape_cast %broadcast_in_dim3A_48 : vector<1x512xi32> to vector<1x512xi32>
      %broadcast_in_dim3A_54 = vector.broadcast %broadcast_in_dim3A_53 : vector<1x512xi32> to vector<32x512xi32>
      %select_n3A_55 = arith.select %eq3A_52, %broadcast_in_dim3A_54, %scan3A_39 : vector<32x512xi1>, vector<32x512xi32>
      scf.yield %broadcast_in_dim3A_43, %select_n3A_55 : vector<1x512xf32>, vector<32x512xi32>
    }
    %scan3A_31 = arith.constant 33 : i32
    %swap3A = arith.constant 0 : index
    %swap3A_32 = arith.constant 0 : index
    %swap3A_33 = arith.constant 0 : index
    %swap3A_34 = vector.load %arg4[%swap3A, %swap3A_32, %swap3A_33] : memref<1x32x512xi32, #tpu.memory_space<vmem>>, vector<1x32x512xi32>
    %swap3A_35 = vector.shape_cast %swap3A_34 : vector<1x32x512xi32> to vector<32x512xi32>
    %swap3A_36 = vector.shape_cast %scan3A_30#1 : vector<32x512xi32> to vector<1x32x512xi32>
    tpu.vector_store %arg4[%swap3A, %swap3A_32, %swap3A_33], %swap3A_36 {strides = array<i32>} : memref<1x32x512xi32, #tpu.memory_space<vmem>>, vector<1x32x512xi32>,
    return
  }
  func.func @transform_0(%arg0: i32, %arg1: i32) -> (i32, i32, i32) {
    %c0_i32 = arith.constant 0 : i32
    %c0_i32_0 = arith.constant 0 : i32
    %c0_i32_1 = arith.constant 0 : i32
    return %arg0, %c0_i32, %c0_i32_0 : i32, i32, i32
  }
  func.func @transform_1(%arg0: i32, %arg1: i32) -> (i32, i32, i32) {
    %c0_i32 = arith.constant 0 : i32
    %c0_i32_0 = arith.constant 0 : i32
    return %arg0, %c0_i32, %arg1 : i32, i32, i32
  }
  func.func @transform_2(%arg0: i32, %arg1: i32) -> (i32, i32, i32) {
    %c0_i32 = arith.constant 0 : i32
    %c0_i32_0 = arith.constant 0 : i32
    return %arg0, %c0_i32, %arg1 : i32, i32, i32
  }
}

module attributes {stable_mosaic.version = 14 : i64} {
  func.func @_stats_body(%arg0: i32, %arg1: i32, %arg2: i32, %arg3: memref<1x1x3x2048xf32, #tpu.memory_space<vmem>>, %arg4: memref<1x3x2048xf32, #tpu.memory_space<vmem>>, %arg5: memref<32x3xf32, #tpu.memory_space<vmem>>, %arg6: memref<32x3xf32, #tpu.memory_space<vmem>>, %arg7: memref<32x32xf32, #tpu.memory_space<vmem>>, %arg8: memref<64x32xf32, #tpu.memory_space<vmem>>, %arg9: memref<128x1xf32, #tpu.memory_space<vmem>>, %arg10: memref<128x1xf32, #tpu.memory_space<vmem>>) attributes {dimension_semantics = [#tpu.dimension_semantics<arbitrary>, #tpu.dimension_semantics<arbitrary>, #tpu.dimension_semantics<arbitrary>], iteration_bounds = array<i64: 4, 2, 32>, scalar_prefetch = 0 : i64, scratch_operands = 0 : i64, tpu.core_type = #tpu.core_type<tc>, window_params = [{transform_indices = @transform_0, window_bounds = array<i64: 1, 1, 3, 2048>}, {transform_indices = @transform_1, window_bounds = array<i64: 1, 3, 2048>}, {pipeline_mode = #tpu.pipeline_mode<synchronous>, transform_indices = @transform_2, window_bounds = array<i64: 32, 3>}, {pipeline_mode = #tpu.pipeline_mode<synchronous>, transform_indices = @transform_3, window_bounds = array<i64: 32, 3>}, {pipeline_mode = #tpu.pipeline_mode<synchronous>, transform_indices = @transform_4, window_bounds = array<i64: 32, 32>}, {pipeline_mode = #tpu.pipeline_mode<synchronous>, transform_indices = @transform_5, window_bounds = array<i64: 64, 32>}, {pipeline_mode = #tpu.pipeline_mode<synchronous>, transform_indices = @transform_6, window_bounds = array<i64: 128, 1>}, {pipeline_mode = #tpu.pipeline_mode<synchronous>, transform_indices = @transform_7, window_bounds = array<i64: 128, 1>}]} {
    %eq3A = arith.constant 0 : i32
    %eq3A_0 = arith.cmpi eq, %arg0, %eq3A : i32
    %eq3A_1 = arith.constant 0 : i32
    %eq3A_2 = arith.cmpi eq, %arg1, %eq3A_1 : i32
    %and3A = arith.andi %eq3A_0, %eq3A_2 : i1
    %eq3A_3 = arith.constant 0 : i32
    %eq3A_4 = arith.cmpi eq, %arg2, %eq3A_3 : i32
    %and3A_5 = arith.andi %and3A, %eq3A_4 : i1
    %convert_element_type3A = arith.extui %and3A_5 : i1 to i32
    %cond3A = arith.constant 0 : i32
    %cond3A_6 = arith.cmpi ne, %convert_element_type3A, %cond3A : i32
    scf.if %cond3A_6 {
      %broadcast_in_dim3A_43 = arith.constant 0.000000e+00 : f32
      %broadcast_in_dim3A_44 = vector.broadcast %broadcast_in_dim3A_43 : f32 to vector<128x1xf32>
      %swap3A_45 = arith.constant 0 : index
      %swap3A_46 = arith.constant 0 : index
      %swap3A_47 = vector.load %arg9[%swap3A_45, %swap3A_46] : memref<128x1xf32, #tpu.memory_space<vmem>>, vector<128x1xf32>
      tpu.vector_store %arg9[%swap3A_45, %swap3A_46], %broadcast_in_dim3A_44 {strides = array<i32>} : memref<128x1xf32, #tpu.memory_space<vmem>>, vector<128x1xf32>,
      %broadcast_in_dim3A_48 = arith.constant 0.000000e+00 : f32
      %broadcast_in_dim3A_49 = vector.broadcast %broadcast_in_dim3A_48 : f32 to vector<128x1xf32>
      %swap3A_50 = arith.constant 0 : index
      %swap3A_51 = arith.constant 0 : index
      %swap3A_52 = vector.load %arg10[%swap3A_50, %swap3A_51] : memref<128x1xf32, #tpu.memory_space<vmem>>, vector<128x1xf32>
      tpu.vector_store %arg10[%swap3A_50, %swap3A_51], %broadcast_in_dim3A_49 {strides = array<i32>} : memref<128x1xf32, #tpu.memory_space<vmem>>, vector<128x1xf32>,
    } else {
    }
    %get3A = arith.constant 0 : index
    %get3A_7 = arith.constant 0 : index
    %get3A_8 = arith.constant 0 : index
    %get3A_9 = arith.constant 0 : index
    %get3A_10 = vector.load %arg3[%get3A, %get3A_7, %get3A_8, %get3A_9] : memref<1x1x3x2048xf32, #tpu.memory_space<vmem>>, vector<1x1x3x2048xf32>
    %get3A_11 = vector.shape_cast %get3A_10 : vector<1x1x3x2048xf32> to vector<3x2048xf32>
    %get3A_12 = arith.constant 0 : index
    %get3A_13 = arith.constant 0 : index
    %get3A_14 = arith.constant 0 : index
    %get3A_15 = vector.load %arg4[%get3A_12, %get3A_13, %get3A_14] : memref<1x3x2048xf32, #tpu.memory_space<vmem>>, vector<1x3x2048xf32>
    %get3A_16 = vector.shape_cast %get3A_15 : vector<1x3x2048xf32> to vector<3x2048xf32>
    %get3A_17 = arith.constant 0 : index
    %get3A_18 = arith.constant 0 : index
    %get3A_19 = vector.load %arg5[%get3A_17, %get3A_18] : memref<32x3xf32, #tpu.memory_space<vmem>>, vector<32x3xf32>
    %get3A_20 = arith.constant 0 : index
    %get3A_21 = arith.constant 0 : index
    %get3A_22 = vector.load %arg6[%get3A_20, %get3A_21] : memref<32x3xf32, #tpu.memory_space<vmem>>, vector<32x3xf32>
    %dot_general3A = arith.constant dense<0.000000e+00> : vector<32x2048xf32>
    %dot_general3A_23 = tpu.matmul %get3A_19, %get3A_11, %dot_general3A {dimension_numbers = #tpu.dot_dimension_numbers<[1], [0], [0], [1], [0, 0, 1, 1], [], []>, precision = #tpu.contract_precision<fp32>, transpose_lhs_hint = false} : vector<32x3xf32>, vector<3x2048xf32>, vector<32x2048xf32> -> vector<32x2048xf32>
    %dot_general3A_24 = arith.constant dense<0.000000e+00> : vector<32x2048xf32>
    %dot_general3A_25 = tpu.matmul %get3A_22, %get3A_16, %dot_general3A_24 {dimension_numbers = #tpu.dot_dimension_numbers<[1], [0], [0], [1], [0, 0, 1, 1], [], []>, precision = #tpu.contract_precision<fp32>, transpose_lhs_hint = false} : vector<32x3xf32>, vector<3x2048xf32>, vector<32x2048xf32> -> vector<32x2048xf32>
    %add3A = arith.addf %dot_general3A_23, %dot_general3A_25 : vector<32x2048xf32>
    %reduce_sum3A = arith.constant dense<0.000000e+00> : vector<32xf32>
    %reduce_sum3A_26 = vector.multi_reduction <add>, %add3A, %reduce_sum3A [1] : vector<32x2048xf32> to vector<32xf32>
    %broadcast_in_dim3A = vector.shape_cast %reduce_sum3A_26 : vector<32xf32> to vector<32x1xf32>
    %mul3A = arith.mulf %add3A, %add3A : vector<32x2048xf32>
    %reduce_sum3A_27 = arith.constant dense<0.000000e+00> : vector<32xf32>
    %reduce_sum3A_28 = vector.multi_reduction <add>, %mul3A, %reduce_sum3A_27 [1] : vector<32x2048xf32> to vector<32xf32>
    %broadcast_in_dim3A_29 = vector.shape_cast %reduce_sum3A_28 : vector<32xf32> to vector<32x1xf32>
    %get3A_30 = arith.constant 0 : index
    %get3A_31 = arith.constant 0 : index
    %get3A_32 = vector.load %arg9[%get3A_30, %get3A_31] : memref<128x1xf32, #tpu.memory_space<vmem>>, vector<32x1xf32>
    %add3A_33 = arith.addf %get3A_32, %broadcast_in_dim3A : vector<32x1xf32>
    %swap3A = arith.constant 0 : index
    %swap3A_34 = arith.constant 0 : index
    %swap3A_35 = vector.load %arg9[%swap3A, %swap3A_34] : memref<128x1xf32, #tpu.memory_space<vmem>>, vector<32x1xf32>
    tpu.vector_store %arg9[%swap3A, %swap3A_34], %add3A_33 {strides = array<i32>} : memref<128x1xf32, #tpu.memory_space<vmem>>, vector<32x1xf32>,
    %get3A_36 = arith.constant 0 : index
    %get3A_37 = arith.constant 0 : index
    %get3A_38 = vector.load %arg10[%get3A_36, %get3A_37] : memref<128x1xf32, #tpu.memory_space<vmem>>, vector<32x1xf32>
    %add3A_39 = arith.addf %get3A_38, %broadcast_in_dim3A_29 : vector<32x1xf32>
    %swap3A_40 = arith.constant 0 : index
    %swap3A_41 = arith.constant 0 : index
    %swap3A_42 = vector.load %arg10[%swap3A_40, %swap3A_41] : memref<128x1xf32, #tpu.memory_space<vmem>>, vector<32x1xf32>
    tpu.vector_store %arg10[%swap3A_40, %swap3A_41], %add3A_39 {strides = array<i32>} : memref<128x1xf32, #tpu.memory_space<vmem>>, vector<32x1xf32>,
    return
  }
  func.func @transform_0(%arg0: i32, %arg1: i32, %arg2: i32) -> (i32, i32, i32, i32) {
    %c0_i32 = arith.constant 0 : i32
    %c0_i32_0 = arith.constant 0 : i32
    return %arg0, %arg2, %c0_i32, %arg1 : i32, i32, i32, i32
  }
  func.func @transform_1(%arg0: i32, %arg1: i32, %arg2: i32) -> (i32, i32, i32) {
    %c0_i32 = arith.constant 0 : i32
    %c0_i32_0 = arith.constant 0 : i32
    return %arg0, %c0_i32, %arg1 : i32, i32, i32
  }
  func.func @transform_2(%arg0: i32, %arg1: i32, %arg2: i32) -> (i32, i32) {
    %c0_i32 = arith.constant 0 : i32
    %c0_i32_0 = arith.constant 0 : i32
    %c0_i32_1 = arith.constant 0 : i32
    return %c0_i32, %c0_i32_0 : i32, i32
  }
  func.func @transform_3(%arg0: i32, %arg1: i32, %arg2: i32) -> (i32, i32) {
    %c0_i32 = arith.constant 0 : i32
    %c0_i32_0 = arith.constant 0 : i32
    %c0_i32_1 = arith.constant 0 : i32
    return %c0_i32, %c0_i32_0 : i32, i32
  }
  func.func @transform_4(%arg0: i32, %arg1: i32, %arg2: i32) -> (i32, i32) {
    %c0_i32 = arith.constant 0 : i32
    %c0_i32_0 = arith.constant 0 : i32
    %c0_i32_1 = arith.constant 0 : i32
    return %c0_i32, %c0_i32_0 : i32, i32
  }
  func.func @transform_5(%arg0: i32, %arg1: i32, %arg2: i32) -> (i32, i32) {
    %c0_i32 = arith.constant 0 : i32
    %c0_i32_0 = arith.constant 0 : i32
    %c0_i32_1 = arith.constant 0 : i32
    return %c0_i32, %c0_i32_0 : i32, i32
  }
  func.func @transform_6(%arg0: i32, %arg1: i32, %arg2: i32) -> (i32, i32) {
    %c0_i32 = arith.constant 0 : i32
    %c0_i32_0 = arith.constant 0 : i32
    %c0_i32_1 = arith.constant 0 : i32
    return %c0_i32, %c0_i32_0 : i32, i32
  }
  func.func @transform_7(%arg0: i32, %arg1: i32, %arg2: i32) -> (i32, i32) {
    %c0_i32 = arith.constant 0 : i32
    %c0_i32_0 = arith.constant 0 : i32
    %c0_i32_1 = arith.constant 0 : i32
    return %c0_i32, %c0_i32_0 : i32, i32
  }
}

module attributes {stable_mosaic.version = 14 : i64} {
  func.func @_stats_body(%arg0: i32, %arg1: i32, %arg2: i32, %arg3: memref<1x1x3x2048xf32, #tpu.memory_space<vmem>>, %arg4: memref<1x3x2048xf32, #tpu.memory_space<vmem>>, %arg5: memref<32x3xf32, #tpu.memory_space<vmem>>, %arg6: memref<32x3xf32, #tpu.memory_space<vmem>>, %arg7: memref<32x32xf32, #tpu.memory_space<vmem>>, %arg8: memref<64x32xf32, #tpu.memory_space<vmem>>, %arg9: memref<128x1xf32, #tpu.memory_space<vmem>>, %arg10: memref<128x1xf32, #tpu.memory_space<vmem>>, %arg11: memref<128x1xf32, #tpu.memory_space<vmem>>, %arg12: memref<128x1xf32, #tpu.memory_space<vmem>>) attributes {dimension_semantics = [#tpu.dimension_semantics<arbitrary>, #tpu.dimension_semantics<arbitrary>, #tpu.dimension_semantics<arbitrary>], iteration_bounds = array<i64: 4, 2, 32>, scalar_prefetch = 0 : i64, scratch_operands = 0 : i64, tpu.core_type = #tpu.core_type<tc>, window_params = [{transform_indices = @transform_0, window_bounds = array<i64: 1, 1, 3, 2048>}, {transform_indices = @transform_1, window_bounds = array<i64: 1, 3, 2048>}, {pipeline_mode = #tpu.pipeline_mode<synchronous>, transform_indices = @transform_2, window_bounds = array<i64: 32, 3>}, {pipeline_mode = #tpu.pipeline_mode<synchronous>, transform_indices = @transform_3, window_bounds = array<i64: 32, 3>}, {pipeline_mode = #tpu.pipeline_mode<synchronous>, transform_indices = @transform_4, window_bounds = array<i64: 32, 32>}, {pipeline_mode = #tpu.pipeline_mode<synchronous>, transform_indices = @transform_5, window_bounds = array<i64: 64, 32>}, {pipeline_mode = #tpu.pipeline_mode<synchronous>, transform_indices = @transform_6, window_bounds = array<i64: 128, 1>}, {pipeline_mode = #tpu.pipeline_mode<synchronous>, transform_indices = @transform_7, window_bounds = array<i64: 128, 1>}, {pipeline_mode = #tpu.pipeline_mode<synchronous>, transform_indices = @transform_8, window_bounds = array<i64: 128, 1>}, {pipeline_mode = #tpu.pipeline_mode<synchronous>, transform_indices = @transform_9, window_bounds = array<i64: 128, 1>}]} {
    %get3A = arith.constant 0 : index
    %get3A_0 = arith.constant 0 : index
    %get3A_1 = vector.load %arg9[%get3A, %get3A_0] : memref<128x1xf32, #tpu.memory_space<vmem>>, vector<128x1xf32>
    %get3A_2 = arith.constant 0 : index
    %get3A_3 = arith.constant 0 : index
    %get3A_4 = vector.load %arg10[%get3A_2, %get3A_3] : memref<128x1xf32, #tpu.memory_space<vmem>>, vector<128x1xf32>
    %eq3A = arith.constant 0 : i32
    %eq3A_5 = arith.cmpi eq, %arg0, %eq3A : i32
    %eq3A_6 = arith.constant 0 : i32
    %eq3A_7 = arith.cmpi eq, %arg1, %eq3A_6 : i32
    %and3A = arith.andi %eq3A_5, %eq3A_7 : i1
    %eq3A_8 = arith.constant 0 : i32
    %eq3A_9 = arith.cmpi eq, %arg2, %eq3A_8 : i32
    %and3A_10 = arith.andi %and3A, %eq3A_9 : i1
    %convert_element_type3A = arith.extui %and3A_10 : i1 to i32
    %cond3A = arith.constant 0 : i32
    %cond3A_11 = arith.cmpi ne, %convert_element_type3A, %cond3A : i32
    scf.if %cond3A_11 {
      %broadcast_in_dim3A_61 = arith.constant 0.000000e+00 : f32
      %broadcast_in_dim3A_62 = vector.broadcast %broadcast_in_dim3A_61 : f32 to vector<128x1xf32>
      %swap3A_63 = arith.constant 0 : index
      %swap3A_64 = arith.constant 0 : index
      %swap3A_65 = vector.load %arg11[%swap3A_63, %swap3A_64] : memref<128x1xf32, #tpu.memory_space<vmem>>, vector<128x1xf32>
      tpu.vector_store %arg11[%swap3A_63, %swap3A_64], %broadcast_in_dim3A_62 {strides = array<i32>} : memref<128x1xf32, #tpu.memory_space<vmem>>, vector<128x1xf32>,
      %broadcast_in_dim3A_66 = arith.constant 0.000000e+00 : f32
      %broadcast_in_dim3A_67 = vector.broadcast %broadcast_in_dim3A_66 : f32 to vector<128x1xf32>
      %swap3A_68 = arith.constant 0 : index
      %swap3A_69 = arith.constant 0 : index
      %swap3A_70 = vector.load %arg12[%swap3A_68, %swap3A_69] : memref<128x1xf32, #tpu.memory_space<vmem>>, vector<128x1xf32>
      tpu.vector_store %arg12[%swap3A_68, %swap3A_69], %broadcast_in_dim3A_67 {strides = array<i32>} : memref<128x1xf32, #tpu.memory_space<vmem>>, vector<128x1xf32>,
    } else {
    }
    %get3A_12 = arith.constant 0 : index
    %get3A_13 = arith.constant 0 : index
    %get3A_14 = arith.constant 0 : index
    %get3A_15 = arith.constant 0 : index
    %get3A_16 = vector.load %arg3[%get3A_12, %get3A_13, %get3A_14, %get3A_15] : memref<1x1x3x2048xf32, #tpu.memory_space<vmem>>, vector<1x1x3x2048xf32>
    %get3A_17 = vector.shape_cast %get3A_16 : vector<1x1x3x2048xf32> to vector<3x2048xf32>
    %get3A_18 = arith.constant 0 : index
    %get3A_19 = arith.constant 0 : index
    %get3A_20 = arith.constant 0 : index
    %get3A_21 = vector.load %arg4[%get3A_18, %get3A_19, %get3A_20] : memref<1x3x2048xf32, #tpu.memory_space<vmem>>, vector<1x3x2048xf32>
    %get3A_22 = vector.shape_cast %get3A_21 : vector<1x3x2048xf32> to vector<3x2048xf32>
    %get3A_23 = arith.constant 0 : index
    %get3A_24 = arith.constant 0 : index
    %get3A_25 = vector.load %arg5[%get3A_23, %get3A_24] : memref<32x3xf32, #tpu.memory_space<vmem>>, vector<32x3xf32>
    %get3A_26 = arith.constant 0 : index
    %get3A_27 = arith.constant 0 : index
    %get3A_28 = vector.load %arg6[%get3A_26, %get3A_27] : memref<32x3xf32, #tpu.memory_space<vmem>>, vector<32x3xf32>
    %dot_general3A = arith.constant dense<0.000000e+00> : vector<32x2048xf32>
    %dot_general3A_29 = tpu.matmul %get3A_25, %get3A_17, %dot_general3A {dimension_numbers = #tpu.dot_dimension_numbers<[1], [0], [0], [1], [0, 0, 1, 1], [], []>, precision = #tpu.contract_precision<fp32>, transpose_lhs_hint = false} : vector<32x3xf32>, vector<3x2048xf32>, vector<32x2048xf32> -> vector<32x2048xf32>
    %dot_general3A_30 = arith.constant dense<0.000000e+00> : vector<32x2048xf32>
    %dot_general3A_31 = tpu.matmul %get3A_28, %get3A_22, %dot_general3A_30 {dimension_numbers = #tpu.dot_dimension_numbers<[1], [0], [0], [1], [0, 0, 1, 1], [], []>, precision = #tpu.contract_precision<fp32>, transpose_lhs_hint = false} : vector<32x3xf32>, vector<3x2048xf32>, vector<32x2048xf32> -> vector<32x2048xf32>
    %add3A = arith.addf %dot_general3A_29, %dot_general3A_31 : vector<32x2048xf32>
    %slice3A = vector.extract_strided_slice %get3A_1 {offsets = [0, 0], sizes = [32, 1], strides = [1, 1]} : vector<128x1xf32> to vector<32x1xf32>
    %mul3A = vector.broadcast %slice3A : vector<32x1xf32> to vector<32x2048xf32>
    %mul3A_32 = arith.mulf %add3A, %mul3A : vector<32x2048xf32>
    %slice3A_33 = vector.extract_strided_slice %get3A_4 {offsets = [0, 0], sizes = [32, 1], strides = [1, 1]} : vector<128x1xf32> to vector<32x1xf32>
    %add3A_34 = vector.broadcast %slice3A_33 : vector<32x1xf32> to vector<32x2048xf32>
    %add3A_35 = arith.addf %mul3A_32, %add3A_34 : vector<32x2048xf32>
    %max3A = arith.constant 0.000000e+00 : f32
    %max3A_36 = vector.broadcast %max3A : f32 to vector<32x2048xf32>
    %max3A_37 = arith.maximumf %add3A_35, %max3A_36 : vector<32x2048xf32>
    %get3A_38 = arith.constant 0 : index
    %get3A_39 = arith.constant 0 : index
    %get3A_40 = vector.load %arg7[%get3A_38, %get3A_39] : memref<32x32xf32, #tpu.memory_space<vmem>>, vector<32x32xf32>
    %dot_general3A_41 = arith.constant dense<0.000000e+00> : vector<32x2048xf32>
    %dot_general3A_42 = tpu.matmul %get3A_40, %max3A_37, %dot_general3A_41 {dimension_numbers = #tpu.dot_dimension_numbers<[1], [0], [0], [1], [0, 0, 1, 1], [], []>, precision = #tpu.contract_precision<fp32>, transpose_lhs_hint = false} : vector<32x32xf32>, vector<32x2048xf32>, vector<32x2048xf32> -> vector<32x2048xf32>
    %reduce_sum3A = arith.constant dense<0.000000e+00> : vector<32xf32>
    %reduce_sum3A_43 = vector.multi_reduction <add>, %dot_general3A_42, %reduce_sum3A [1] : vector<32x2048xf32> to vector<32xf32>
    %broadcast_in_dim3A = vector.shape_cast %reduce_sum3A_43 : vector<32xf32> to vector<32x1xf32>
    %mul3A_44 = arith.mulf %dot_general3A_42, %dot_general3A_42 : vector<32x2048xf32>
    %reduce_sum3A_45 = arith.constant dense<0.000000e+00> : vector<32xf32>
    %reduce_sum3A_46 = vector.multi_reduction <add>, %mul3A_44, %reduce_sum3A_45 [1] : vector<32x2048xf32> to vector<32xf32>
    %broadcast_in_dim3A_47 = vector.shape_cast %reduce_sum3A_46 : vector<32xf32> to vector<32x1xf32>
    %get3A_48 = arith.constant 0 : index
    %get3A_49 = arith.constant 0 : index
    %get3A_50 = vector.load %arg11[%get3A_48, %get3A_49] : memref<128x1xf32, #tpu.memory_space<vmem>>, vector<32x1xf32>
    %add3A_51 = arith.addf %get3A_50, %broadcast_in_dim3A : vector<32x1xf32>
    %swap3A = arith.constant 0 : index
    %swap3A_52 = arith.constant 0 : index
    %swap3A_53 = vector.load %arg11[%swap3A, %swap3A_52] : memref<128x1xf32, #tpu.memory_space<vmem>>, vector<32x1xf32>
    tpu.vector_store %arg11[%swap3A, %swap3A_52], %add3A_51 {strides = array<i32>} : memref<128x1xf32, #tpu.memory_space<vmem>>, vector<32x1xf32>,
    %get3A_54 = arith.constant 0 : index
    %get3A_55 = arith.constant 0 : index
    %get3A_56 = vector.load %arg12[%get3A_54, %get3A_55] : memref<128x1xf32, #tpu.memory_space<vmem>>, vector<32x1xf32>
    %add3A_57 = arith.addf %get3A_56, %broadcast_in_dim3A_47 : vector<32x1xf32>
    %swap3A_58 = arith.constant 0 : index
    %swap3A_59 = arith.constant 0 : index
    %swap3A_60 = vector.load %arg12[%swap3A_58, %swap3A_59] : memref<128x1xf32, #tpu.memory_space<vmem>>, vector<32x1xf32>
    tpu.vector_store %arg12[%swap3A_58, %swap3A_59], %add3A_57 {strides = array<i32>} : memref<128x1xf32, #tpu.memory_space<vmem>>, vector<32x1xf32>,
    return
  }
  func.func @transform_0(%arg0: i32, %arg1: i32, %arg2: i32) -> (i32, i32, i32, i32) {
    %c0_i32 = arith.constant 0 : i32
    %c0_i32_0 = arith.constant 0 : i32
    return %arg0, %arg2, %c0_i32, %arg1 : i32, i32, i32, i32
  }
  func.func @transform_1(%arg0: i32, %arg1: i32, %arg2: i32) -> (i32, i32, i32) {
    %c0_i32 = arith.constant 0 : i32
    %c0_i32_0 = arith.constant 0 : i32
    return %arg0, %c0_i32, %arg1 : i32, i32, i32
  }
  func.func @transform_2(%arg0: i32, %arg1: i32, %arg2: i32) -> (i32, i32) {
    %c0_i32 = arith.constant 0 : i32
    %c0_i32_0 = arith.constant 0 : i32
    %c0_i32_1 = arith.constant 0 : i32
    return %c0_i32, %c0_i32_0 : i32, i32
  }
  func.func @transform_3(%arg0: i32, %arg1: i32, %arg2: i32) -> (i32, i32) {
    %c0_i32 = arith.constant 0 : i32
    %c0_i32_0 = arith.constant 0 : i32
    %c0_i32_1 = arith.constant 0 : i32
    return %c0_i32, %c0_i32_0 : i32, i32
  }
  func.func @transform_4(%arg0: i32, %arg1: i32, %arg2: i32) -> (i32, i32) {
    %c0_i32 = arith.constant 0 : i32
    %c0_i32_0 = arith.constant 0 : i32
    %c0_i32_1 = arith.constant 0 : i32
    return %c0_i32, %c0_i32_0 : i32, i32
  }
  func.func @transform_5(%arg0: i32, %arg1: i32, %arg2: i32) -> (i32, i32) {
    %c0_i32 = arith.constant 0 : i32
    %c0_i32_0 = arith.constant 0 : i32
    %c0_i32_1 = arith.constant 0 : i32
    return %c0_i32, %c0_i32_0 : i32, i32
  }
  func.func @transform_6(%arg0: i32, %arg1: i32, %arg2: i32) -> (i32, i32) {
    %c0_i32 = arith.constant 0 : i32
    %c0_i32_0 = arith.constant 0 : i32
    %c0_i32_1 = arith.constant 0 : i32
    return %c0_i32, %c0_i32_0 : i32, i32
  }
  func.func @transform_7(%arg0: i32, %arg1: i32, %arg2: i32) -> (i32, i32) {
    %c0_i32 = arith.constant 0 : i32
    %c0_i32_0 = arith.constant 0 : i32
    %c0_i32_1 = arith.constant 0 : i32
    return %c0_i32, %c0_i32_0 : i32, i32
  }
  func.func @transform_8(%arg0: i32, %arg1: i32, %arg2: i32) -> (i32, i32) {
    %c0_i32 = arith.constant 0 : i32
    %c0_i32_0 = arith.constant 0 : i32
    %c0_i32_1 = arith.constant 0 : i32
    return %c0_i32, %c0_i32_0 : i32, i32
  }
  func.func @transform_9(%arg0: i32, %arg1: i32, %arg2: i32) -> (i32, i32) {
    %c0_i32 = arith.constant 0 : i32
    %c0_i32_0 = arith.constant 0 : i32
    %c0_i32_1 = arith.constant 0 : i32
    return %c0_i32, %c0_i32_0 : i32, i32
  }
}

module attributes {stable_mosaic.version = 14 : i64} {
  func.func @_stats_body(%arg0: i32, %arg1: i32, %arg2: i32, %arg3: memref<1x1x3x2048xf32, #tpu.memory_space<vmem>>, %arg4: memref<1x3x2048xf32, #tpu.memory_space<vmem>>, %arg5: memref<32x3xf32, #tpu.memory_space<vmem>>, %arg6: memref<32x3xf32, #tpu.memory_space<vmem>>, %arg7: memref<32x32xf32, #tpu.memory_space<vmem>>, %arg8: memref<64x32xf32, #tpu.memory_space<vmem>>, %arg9: memref<128x1xf32, #tpu.memory_space<vmem>>, %arg10: memref<128x1xf32, #tpu.memory_space<vmem>>, %arg11: memref<128x1xf32, #tpu.memory_space<vmem>>, %arg12: memref<128x1xf32, #tpu.memory_space<vmem>>, %arg13: memref<128x1xf32, #tpu.memory_space<vmem>>, %arg14: memref<128x1xf32, #tpu.memory_space<vmem>>) attributes {dimension_semantics = [#tpu.dimension_semantics<arbitrary>, #tpu.dimension_semantics<arbitrary>, #tpu.dimension_semantics<arbitrary>], iteration_bounds = array<i64: 4, 2, 32>, scalar_prefetch = 0 : i64, scratch_operands = 0 : i64, tpu.core_type = #tpu.core_type<tc>, window_params = [{transform_indices = @transform_0, window_bounds = array<i64: 1, 1, 3, 2048>}, {transform_indices = @transform_1, window_bounds = array<i64: 1, 3, 2048>}, {pipeline_mode = #tpu.pipeline_mode<synchronous>, transform_indices = @transform_2, window_bounds = array<i64: 32, 3>}, {pipeline_mode = #tpu.pipeline_mode<synchronous>, transform_indices = @transform_3, window_bounds = array<i64: 32, 3>}, {pipeline_mode = #tpu.pipeline_mode<synchronous>, transform_indices = @transform_4, window_bounds = array<i64: 32, 32>}, {pipeline_mode = #tpu.pipeline_mode<synchronous>, transform_indices = @transform_5, window_bounds = array<i64: 64, 32>}, {pipeline_mode = #tpu.pipeline_mode<synchronous>, transform_indices = @transform_6, window_bounds = array<i64: 128, 1>}, {pipeline_mode = #tpu.pipeline_mode<synchronous>, transform_indices = @transform_7, window_bounds = array<i64: 128, 1>}, {pipeline_mode = #tpu.pipeline_mode<synchronous>, transform_indices = @transform_8, window_bounds = array<i64: 128, 1>}, {pipeline_mode = #tpu.pipeline_mode<synchronous>, transform_indices = @transform_9, window_bounds = array<i64: 128, 1>}, {pipeline_mode = #tpu.pipeline_mode<synchronous>, transform_indices = @transform_10, window_bounds = array<i64: 128, 1>}, {pipeline_mode = #tpu.pipeline_mode<synchronous>, transform_indices = @transform_11, window_bounds = array<i64: 128, 1>}]} {
    %get3A = arith.constant 0 : index
    %get3A_0 = arith.constant 0 : index
    %get3A_1 = vector.load %arg9[%get3A, %get3A_0] : memref<128x1xf32, #tpu.memory_space<vmem>>, vector<128x1xf32>
    %get3A_2 = arith.constant 0 : index
    %get3A_3 = arith.constant 0 : index
    %get3A_4 = vector.load %arg10[%get3A_2, %get3A_3] : memref<128x1xf32, #tpu.memory_space<vmem>>, vector<128x1xf32>
    %get3A_5 = arith.constant 0 : index
    %get3A_6 = arith.constant 0 : index
    %get3A_7 = vector.load %arg11[%get3A_5, %get3A_6] : memref<128x1xf32, #tpu.memory_space<vmem>>, vector<128x1xf32>
    %get3A_8 = arith.constant 0 : index
    %get3A_9 = arith.constant 0 : index
    %get3A_10 = vector.load %arg12[%get3A_8, %get3A_9] : memref<128x1xf32, #tpu.memory_space<vmem>>, vector<128x1xf32>
    %eq3A = arith.constant 0 : i32
    %eq3A_11 = arith.cmpi eq, %arg0, %eq3A : i32
    %eq3A_12 = arith.constant 0 : i32
    %eq3A_13 = arith.cmpi eq, %arg1, %eq3A_12 : i32
    %and3A = arith.andi %eq3A_11, %eq3A_13 : i1
    %eq3A_14 = arith.constant 0 : i32
    %eq3A_15 = arith.cmpi eq, %arg2, %eq3A_14 : i32
    %and3A_16 = arith.andi %and3A, %eq3A_15 : i1
    %convert_element_type3A = arith.extui %and3A_16 : i1 to i32
    %cond3A = arith.constant 0 : i32
    %cond3A_17 = arith.cmpi ne, %convert_element_type3A, %cond3A : i32
    scf.if %cond3A_17 {
      %broadcast_in_dim3A_81 = arith.constant 0.000000e+00 : f32
      %broadcast_in_dim3A_82 = vector.broadcast %broadcast_in_dim3A_81 : f32 to vector<128x1xf32>
      %swap3A_83 = arith.constant 0 : index
      %swap3A_84 = arith.constant 0 : index
      %swap3A_85 = vector.load %arg13[%swap3A_83, %swap3A_84] : memref<128x1xf32, #tpu.memory_space<vmem>>, vector<128x1xf32>
      tpu.vector_store %arg13[%swap3A_83, %swap3A_84], %broadcast_in_dim3A_82 {strides = array<i32>} : memref<128x1xf32, #tpu.memory_space<vmem>>, vector<128x1xf32>,
      %broadcast_in_dim3A_86 = arith.constant 0.000000e+00 : f32
      %broadcast_in_dim3A_87 = vector.broadcast %broadcast_in_dim3A_86 : f32 to vector<128x1xf32>
      %swap3A_88 = arith.constant 0 : index
      %swap3A_89 = arith.constant 0 : index
      %swap3A_90 = vector.load %arg14[%swap3A_88, %swap3A_89] : memref<128x1xf32, #tpu.memory_space<vmem>>, vector<128x1xf32>
      tpu.vector_store %arg14[%swap3A_88, %swap3A_89], %broadcast_in_dim3A_87 {strides = array<i32>} : memref<128x1xf32, #tpu.memory_space<vmem>>, vector<128x1xf32>,
    } else {
    }
    %get3A_18 = arith.constant 0 : index
    %get3A_19 = arith.constant 0 : index
    %get3A_20 = arith.constant 0 : index
    %get3A_21 = arith.constant 0 : index
    %get3A_22 = vector.load %arg3[%get3A_18, %get3A_19, %get3A_20, %get3A_21] : memref<1x1x3x2048xf32, #tpu.memory_space<vmem>>, vector<1x1x3x2048xf32>
    %get3A_23 = vector.shape_cast %get3A_22 : vector<1x1x3x2048xf32> to vector<3x2048xf32>
    %get3A_24 = arith.constant 0 : index
    %get3A_25 = arith.constant 0 : index
    %get3A_26 = arith.constant 0 : index
    %get3A_27 = vector.load %arg4[%get3A_24, %get3A_25, %get3A_26] : memref<1x3x2048xf32, #tpu.memory_space<vmem>>, vector<1x3x2048xf32>
    %get3A_28 = vector.shape_cast %get3A_27 : vector<1x3x2048xf32> to vector<3x2048xf32>
    %get3A_29 = arith.constant 0 : index
    %get3A_30 = arith.constant 0 : index
    %get3A_31 = vector.load %arg5[%get3A_29, %get3A_30] : memref<32x3xf32, #tpu.memory_space<vmem>>, vector<32x3xf32>
    %get3A_32 = arith.constant 0 : index
    %get3A_33 = arith.constant 0 : index
    %get3A_34 = vector.load %arg6[%get3A_32, %get3A_33] : memref<32x3xf32, #tpu.memory_space<vmem>>, vector<32x3xf32>
    %dot_general3A = arith.constant dense<0.000000e+00> : vector<32x2048xf32>
    %dot_general3A_35 = tpu.matmul %get3A_31, %get3A_23, %dot_general3A {dimension_numbers = #tpu.dot_dimension_numbers<[1], [0], [0], [1], [0, 0, 1, 1], [], []>, precision = #tpu.contract_precision<fp32>, transpose_lhs_hint = false} : vector<32x3xf32>, vector<3x2048xf32>, vector<32x2048xf32> -> vector<32x2048xf32>
    %dot_general3A_36 = arith.constant dense<0.000000e+00> : vector<32x2048xf32>
    %dot_general3A_37 = tpu.matmul %get3A_34, %get3A_28, %dot_general3A_36 {dimension_numbers = #tpu.dot_dimension_numbers<[1], [0], [0], [1], [0, 0, 1, 1], [], []>, precision = #tpu.contract_precision<fp32>, transpose_lhs_hint = false} : vector<32x3xf32>, vector<3x2048xf32>, vector<32x2048xf32> -> vector<32x2048xf32>
    %add3A = arith.addf %dot_general3A_35, %dot_general3A_37 : vector<32x2048xf32>
    %slice3A = vector.extract_strided_slice %get3A_1 {offsets = [0, 0], sizes = [32, 1], strides = [1, 1]} : vector<128x1xf32> to vector<32x1xf32>
    %mul3A = vector.broadcast %slice3A : vector<32x1xf32> to vector<32x2048xf32>
    %mul3A_38 = arith.mulf %add3A, %mul3A : vector<32x2048xf32>
    %slice3A_39 = vector.extract_strided_slice %get3A_4 {offsets = [0, 0], sizes = [32, 1], strides = [1, 1]} : vector<128x1xf32> to vector<32x1xf32>
    %add3A_40 = vector.broadcast %slice3A_39 : vector<32x1xf32> to vector<32x2048xf32>
    %add3A_41 = arith.addf %mul3A_38, %add3A_40 : vector<32x2048xf32>
    %max3A = arith.constant 0.000000e+00 : f32
    %max3A_42 = vector.broadcast %max3A : f32 to vector<32x2048xf32>
    %max3A_43 = arith.maximumf %add3A_41, %max3A_42 : vector<32x2048xf32>
    %get3A_44 = arith.constant 0 : index
    %get3A_45 = arith.constant 0 : index
    %get3A_46 = vector.load %arg7[%get3A_44, %get3A_45] : memref<32x32xf32, #tpu.memory_space<vmem>>, vector<32x32xf32>
    %dot_general3A_47 = arith.constant dense<0.000000e+00> : vector<32x2048xf32>
    %dot_general3A_48 = tpu.matmul %get3A_46, %max3A_43, %dot_general3A_47 {dimension_numbers = #tpu.dot_dimension_numbers<[1], [0], [0], [1], [0, 0, 1, 1], [], []>, precision = #tpu.contract_precision<fp32>, transpose_lhs_hint = false} : vector<32x32xf32>, vector<32x2048xf32>, vector<32x2048xf32> -> vector<32x2048xf32>
    %slice3A_49 = vector.extract_strided_slice %get3A_7 {offsets = [0, 0], sizes = [32, 1], strides = [1, 1]} : vector<128x1xf32> to vector<32x1xf32>
    %mul3A_50 = vector.broadcast %slice3A_49 : vector<32x1xf32> to vector<32x2048xf32>
    %mul3A_51 = arith.mulf %dot_general3A_48, %mul3A_50 : vector<32x2048xf32>
    %slice3A_52 = vector.extract_strided_slice %get3A_10 {offsets = [0, 0], sizes = [32, 1], strides = [1, 1]} : vector<128x1xf32> to vector<32x1xf32>
    %add3A_53 = vector.broadcast %slice3A_52 : vector<32x1xf32> to vector<32x2048xf32>
    %add3A_54 = arith.addf %mul3A_51, %add3A_53 : vector<32x2048xf32>
    %max3A_55 = arith.constant 0.000000e+00 : f32
    %max3A_56 = vector.broadcast %max3A_55 : f32 to vector<32x2048xf32>
    %max3A_57 = arith.maximumf %add3A_54, %max3A_56 : vector<32x2048xf32>
    %get3A_58 = arith.constant 0 : index
    %get3A_59 = arith.constant 0 : index
    %get3A_60 = vector.load %arg8[%get3A_58, %get3A_59] : memref<64x32xf32, #tpu.memory_space<vmem>>, vector<64x32xf32>
    %dot_general3A_61 = arith.constant dense<0.000000e+00> : vector<64x2048xf32>
    %dot_general3A_62 = tpu.matmul %get3A_60, %max3A_57, %dot_general3A_61 {dimension_numbers = #tpu.dot_dimension_numbers<[1], [0], [0], [1], [0, 0, 1, 1], [], []>, precision = #tpu.contract_precision<fp32>, transpose_lhs_hint = false} : vector<64x32xf32>, vector<32x2048xf32>, vector<64x2048xf32> -> vector<64x2048xf32>
    %reduce_sum3A = arith.constant dense<0.000000e+00> : vector<64xf32>
    %reduce_sum3A_63 = vector.multi_reduction <add>, %dot_general3A_62, %reduce_sum3A [1] : vector<64x2048xf32> to vector<64xf32>
    %broadcast_in_dim3A = vector.shape_cast %reduce_sum3A_63 : vector<64xf32> to vector<64x1xf32>
    %mul3A_64 = arith.mulf %dot_general3A_62, %dot_general3A_62 : vector<64x2048xf32>
    %reduce_sum3A_65 = arith.constant dense<0.000000e+00> : vector<64xf32>
    %reduce_sum3A_66 = vector.multi_reduction <add>, %mul3A_64, %reduce_sum3A_65 [1] : vector<64x2048xf32> to vector<64xf32>
    %broadcast_in_dim3A_67 = vector.shape_cast %reduce_sum3A_66 : vector<64xf32> to vector<64x1xf32>
    %get3A_68 = arith.constant 0 : index
    %get3A_69 = arith.constant 0 : index
    %get3A_70 = vector.load %arg13[%get3A_68, %get3A_69] : memref<128x1xf32, #tpu.memory_space<vmem>>, vector<64x1xf32>
    %add3A_71 = arith.addf %get3A_70, %broadcast_in_dim3A : vector<64x1xf32>
    %swap3A = arith.constant 0 : index
    %swap3A_72 = arith.constant 0 : index
    %swap3A_73 = vector.load %arg13[%swap3A, %swap3A_72] : memref<128x1xf32, #tpu.memory_space<vmem>>, vector<64x1xf32>
    tpu.vector_store %arg13[%swap3A, %swap3A_72], %add3A_71 {strides = array<i32>} : memref<128x1xf32, #tpu.memory_space<vmem>>, vector<64x1xf32>,
    %get3A_74 = arith.constant 0 : index
    %get3A_75 = arith.constant 0 : index
    %get3A_76 = vector.load %arg14[%get3A_74, %get3A_75] : memref<128x1xf32, #tpu.memory_space<vmem>>, vector<64x1xf32>
    %add3A_77 = arith.addf %get3A_76, %broadcast_in_dim3A_67 : vector<64x1xf32>
    %swap3A_78 = arith.constant 0 : index
    %swap3A_79 = arith.constant 0 : index
    %swap3A_80 = vector.load %arg14[%swap3A_78, %swap3A_79] : memref<128x1xf32, #tpu.memory_space<vmem>>, vector<64x1xf32>
    tpu.vector_store %arg14[%swap3A_78, %swap3A_79], %add3A_77 {strides = array<i32>} : memref<128x1xf32, #tpu.memory_space<vmem>>, vector<64x1xf32>,
    return
  }
  func.func @transform_0(%arg0: i32, %arg1: i32, %arg2: i32) -> (i32, i32, i32, i32) {
    %c0_i32 = arith.constant 0 : i32
    %c0_i32_0 = arith.constant 0 : i32
    return %arg0, %arg2, %c0_i32, %arg1 : i32, i32, i32, i32
  }
  func.func @transform_1(%arg0: i32, %arg1: i32, %arg2: i32) -> (i32, i32, i32) {
    %c0_i32 = arith.constant 0 : i32
    %c0_i32_0 = arith.constant 0 : i32
    return %arg0, %c0_i32, %arg1 : i32, i32, i32
  }
  func.func @transform_2(%arg0: i32, %arg1: i32, %arg2: i32) -> (i32, i32) {
    %c0_i32 = arith.constant 0 : i32
    %c0_i32_0 = arith.constant 0 : i32
    %c0_i32_1 = arith.constant 0 : i32
    return %c0_i32, %c0_i32_0 : i32, i32
  }
  func.func @transform_3(%arg0: i32, %arg1: i32, %arg2: i32) -> (i32, i32) {
    %c0_i32 = arith.constant 0 : i32
    %c0_i32_0 = arith.constant 0 : i32
    %c0_i32_1 = arith.constant 0 : i32
    return %c0_i32, %c0_i32_0 : i32, i32
  }
  func.func @transform_4(%arg0: i32, %arg1: i32, %arg2: i32) -> (i32, i32) {
    %c0_i32 = arith.constant 0 : i32
    %c0_i32_0 = arith.constant 0 : i32
    %c0_i32_1 = arith.constant 0 : i32
    return %c0_i32, %c0_i32_0 : i32, i32
  }
  func.func @transform_5(%arg0: i32, %arg1: i32, %arg2: i32) -> (i32, i32) {
    %c0_i32 = arith.constant 0 : i32
    %c0_i32_0 = arith.constant 0 : i32
    %c0_i32_1 = arith.constant 0 : i32
    return %c0_i32, %c0_i32_0 : i32, i32
  }
  func.func @transform_6(%arg0: i32, %arg1: i32, %arg2: i32) -> (i32, i32) {
    %c0_i32 = arith.constant 0 : i32
    %c0_i32_0 = arith.constant 0 : i32
    %c0_i32_1 = arith.constant 0 : i32
    return %c0_i32, %c0_i32_0 : i32, i32
  }
  func.func @transform_7(%arg0: i32, %arg1: i32, %arg2: i32) -> (i32, i32) {
    %c0_i32 = arith.constant 0 : i32
    %c0_i32_0 = arith.constant 0 : i32
    %c0_i32_1 = arith.constant 0 : i32
    return %c0_i32, %c0_i32_0 : i32, i32
  }
  func.func @transform_8(%arg0: i32, %arg1: i32, %arg2: i32) -> (i32, i32) {
    %c0_i32 = arith.constant 0 : i32
    %c0_i32_0 = arith.constant 0 : i32
    %c0_i32_1 = arith.constant 0 : i32
    return %c0_i32, %c0_i32_0 : i32, i32
  }
  func.func @transform_9(%arg0: i32, %arg1: i32, %arg2: i32) -> (i32, i32) {
    %c0_i32 = arith.constant 0 : i32
    %c0_i32_0 = arith.constant 0 : i32
    %c0_i32_1 = arith.constant 0 : i32
    return %c0_i32, %c0_i32_0 : i32, i32
  }
  func.func @transform_10(%arg0: i32, %arg1: i32, %arg2: i32) -> (i32, i32) {
    %c0_i32 = arith.constant 0 : i32
    %c0_i32_0 = arith.constant 0 : i32
    %c0_i32_1 = arith.constant 0 : i32
    return %c0_i32, %c0_i32_0 : i32, i32
  }
  func.func @transform_11(%arg0: i32, %arg1: i32, %arg2: i32) -> (i32, i32) {
    %c0_i32 = arith.constant 0 : i32
    %c0_i32_0 = arith.constant 0 : i32
    %c0_i32_1 = arith.constant 0 : i32
    return %c0_i32, %c0_i32_0 : i32, i32
  }
}

module attributes {stable_mosaic.version = 14 : i64} {
  func.func @_final_body(%arg0: i32, %arg1: i32, %arg2: i32, %arg3: memref<1x1x3x2048xf32, #tpu.memory_space<vmem>>, %arg4: memref<1x3x2048xf32, #tpu.memory_space<vmem>>, %arg5: memref<32x3xf32, #tpu.memory_space<vmem>>, %arg6: memref<32x3xf32, #tpu.memory_space<vmem>>, %arg7: memref<32x32xf32, #tpu.memory_space<vmem>>, %arg8: memref<64x32xf32, #tpu.memory_space<vmem>>, %arg9: memref<128x1xf32, #tpu.memory_space<vmem>>, %arg10: memref<128x1xf32, #tpu.memory_space<vmem>>, %arg11: memref<128x1xf32, #tpu.memory_space<vmem>>, %arg12: memref<128x1xf32, #tpu.memory_space<vmem>>, %arg13: memref<128x1xf32, #tpu.memory_space<vmem>>, %arg14: memref<128x1xf32, #tpu.memory_space<vmem>>, %arg15: memref<1x64x2048xf32, #tpu.memory_space<vmem>>) attributes {dimension_semantics = [#tpu.dimension_semantics<arbitrary>, #tpu.dimension_semantics<arbitrary>, #tpu.dimension_semantics<arbitrary>], iteration_bounds = array<i64: 4, 2, 32>, scalar_prefetch = 0 : i64, scratch_operands = 0 : i64, tpu.core_type = #tpu.core_type<tc>, window_params = [{transform_indices = @transform_0, window_bounds = array<i64: 1, 1, 3, 2048>}, {transform_indices = @transform_1, window_bounds = array<i64: 1, 3, 2048>}, {pipeline_mode = #tpu.pipeline_mode<synchronous>, transform_indices = @transform_2, window_bounds = array<i64: 32, 3>}, {pipeline_mode = #tpu.pipeline_mode<synchronous>, transform_indices = @transform_3, window_bounds = array<i64: 32, 3>}, {pipeline_mode = #tpu.pipeline_mode<synchronous>, transform_indices = @transform_4, window_bounds = array<i64: 32, 32>}, {pipeline_mode = #tpu.pipeline_mode<synchronous>, transform_indices = @transform_5, window_bounds = array<i64: 64, 32>}, {pipeline_mode = #tpu.pipeline_mode<synchronous>, transform_indices = @transform_6, window_bounds = array<i64: 128, 1>}, {pipeline_mode = #tpu.pipeline_mode<synchronous>, transform_indices = @transform_7, window_bounds = array<i64: 128, 1>}, {pipeline_mode = #tpu.pipeline_mode<synchronous>, transform_indices = @transform_8, window_bounds = array<i64: 128, 1>}, {pipeline_mode = #tpu.pipeline_mode<synchronous>, transform_indices = @transform_9, window_bounds = array<i64: 128, 1>}, {pipeline_mode = #tpu.pipeline_mode<synchronous>, transform_indices = @transform_10, window_bounds = array<i64: 128, 1>}, {pipeline_mode = #tpu.pipeline_mode<synchronous>, transform_indices = @transform_11, window_bounds = array<i64: 128, 1>}, {transform_indices = @transform_12, window_bounds = array<i64: 1, 64, 2048>}]} {
    %get3A = arith.constant 0 : index
    %get3A_0 = arith.constant 0 : index
    %get3A_1 = vector.load %arg9[%get3A, %get3A_0] : memref<128x1xf32, #tpu.memory_space<vmem>>, vector<128x1xf32>
    %get3A_2 = arith.constant 0 : index
    %get3A_3 = arith.constant 0 : index
    %get3A_4 = vector.load %arg10[%get3A_2, %get3A_3] : memref<128x1xf32, #tpu.memory_space<vmem>>, vector<128x1xf32>
    %get3A_5 = arith.constant 0 : index
    %get3A_6 = arith.constant 0 : index
    %get3A_7 = vector.load %arg11[%get3A_5, %get3A_6] : memref<128x1xf32, #tpu.memory_space<vmem>>, vector<128x1xf32>
    %get3A_8 = arith.constant 0 : index
    %get3A_9 = arith.constant 0 : index
    %get3A_10 = vector.load %arg12[%get3A_8, %get3A_9] : memref<128x1xf32, #tpu.memory_space<vmem>>, vector<128x1xf32>
    %get3A_11 = arith.constant 0 : index
    %get3A_12 = arith.constant 0 : index
    %get3A_13 = vector.load %arg13[%get3A_11, %get3A_12] : memref<128x1xf32, #tpu.memory_space<vmem>>, vector<128x1xf32>
    %get3A_14 = arith.constant 0 : index
    %get3A_15 = arith.constant 0 : index
    %get3A_16 = vector.load %arg14[%get3A_14, %get3A_15] : memref<128x1xf32, #tpu.memory_space<vmem>>, vector<128x1xf32>
    %get3A_17 = arith.constant 0 : index
    %get3A_18 = arith.constant 0 : index
    %get3A_19 = arith.constant 0 : index
    %get3A_20 = arith.constant 0 : index
    %get3A_21 = vector.load %arg3[%get3A_17, %get3A_18, %get3A_19, %get3A_20] : memref<1x1x3x2048xf32, #tpu.memory_space<vmem>>, vector<1x1x3x2048xf32>
    %get3A_22 = vector.shape_cast %get3A_21 : vector<1x1x3x2048xf32> to vector<3x2048xf32>
    %get3A_23 = arith.constant 0 : index
    %get3A_24 = arith.constant 0 : index
    %get3A_25 = arith.constant 0 : index
    %get3A_26 = vector.load %arg4[%get3A_23, %get3A_24, %get3A_25] : memref<1x3x2048xf32, #tpu.memory_space<vmem>>, vector<1x3x2048xf32>
    %get3A_27 = vector.shape_cast %get3A_26 : vector<1x3x2048xf32> to vector<3x2048xf32>
    %get3A_28 = arith.constant 0 : index
    %get3A_29 = arith.constant 0 : index
    %get3A_30 = vector.load %arg5[%get3A_28, %get3A_29] : memref<32x3xf32, #tpu.memory_space<vmem>>, vector<32x3xf32>
    %get3A_31 = arith.constant 0 : index
    %get3A_32 = arith.constant 0 : index
    %get3A_33 = vector.load %arg6[%get3A_31, %get3A_32] : memref<32x3xf32, #tpu.memory_space<vmem>>, vector<32x3xf32>
    %dot_general3A = arith.constant dense<0.000000e+00> : vector<32x2048xf32>
    %dot_general3A_34 = tpu.matmul %get3A_30, %get3A_22, %dot_general3A {dimension_numbers = #tpu.dot_dimension_numbers<[1], [0], [0], [1], [0, 0, 1, 1], [], []>, precision = #tpu.contract_precision<fp32>, transpose_lhs_hint = false} : vector<32x3xf32>, vector<3x2048xf32>, vector<32x2048xf32> -> vector<32x2048xf32>
    %dot_general3A_35 = arith.constant dense<0.000000e+00> : vector<32x2048xf32>
    %dot_general3A_36 = tpu.matmul %get3A_33, %get3A_27, %dot_general3A_35 {dimension_numbers = #tpu.dot_dimension_numbers<[1], [0], [0], [1], [0, 0, 1, 1], [], []>, precision = #tpu.contract_precision<fp32>, transpose_lhs_hint = false} : vector<32x3xf32>, vector<3x2048xf32>, vector<32x2048xf32> -> vector<32x2048xf32>
    %add3A = arith.addf %dot_general3A_34, %dot_general3A_36 : vector<32x2048xf32>
    %slice3A = vector.extract_strided_slice %get3A_1 {offsets = [0, 0], sizes = [32, 1], strides = [1, 1]} : vector<128x1xf32> to vector<32x1xf32>
    %mul3A = vector.broadcast %slice3A : vector<32x1xf32> to vector<32x2048xf32>
    %mul3A_37 = arith.mulf %add3A, %mul3A : vector<32x2048xf32>
    %slice3A_38 = vector.extract_strided_slice %get3A_4 {offsets = [0, 0], sizes = [32, 1], strides = [1, 1]} : vector<128x1xf32> to vector<32x1xf32>
    %add3A_39 = vector.broadcast %slice3A_38 : vector<32x1xf32> to vector<32x2048xf32>
    %add3A_40 = arith.addf %mul3A_37, %add3A_39 : vector<32x2048xf32>
    %max3A = arith.constant 0.000000e+00 : f32
    %max3A_41 = vector.broadcast %max3A : f32 to vector<32x2048xf32>
    %max3A_42 = arith.maximumf %add3A_40, %max3A_41 : vector<32x2048xf32>
    %get3A_43 = arith.constant 0 : index
    %get3A_44 = arith.constant 0 : index
    %get3A_45 = vector.load %arg7[%get3A_43, %get3A_44] : memref<32x32xf32, #tpu.memory_space<vmem>>, vector<32x32xf32>
    %dot_general3A_46 = arith.constant dense<0.000000e+00> : vector<32x2048xf32>
    %dot_general3A_47 = tpu.matmul %get3A_45, %max3A_42, %dot_general3A_46 {dimension_numbers = #tpu.dot_dimension_numbers<[1], [0], [0], [1], [0, 0, 1, 1], [], []>, precision = #tpu.contract_precision<fp32>, transpose_lhs_hint = false} : vector<32x32xf32>, vector<32x2048xf32>, vector<32x2048xf32> -> vector<32x2048xf32>
    %slice3A_48 = vector.extract_strided_slice %get3A_7 {offsets = [0, 0], sizes = [32, 1], strides = [1, 1]} : vector<128x1xf32> to vector<32x1xf32>
    %mul3A_49 = vector.broadcast %slice3A_48 : vector<32x1xf32> to vector<32x2048xf32>
    %mul3A_50 = arith.mulf %dot_general3A_47, %mul3A_49 : vector<32x2048xf32>
    %slice3A_51 = vector.extract_strided_slice %get3A_10 {offsets = [0, 0], sizes = [32, 1], strides = [1, 1]} : vector<128x1xf32> to vector<32x1xf32>
    %add3A_52 = vector.broadcast %slice3A_51 : vector<32x1xf32> to vector<32x2048xf32>
    %add3A_53 = arith.addf %mul3A_50, %add3A_52 : vector<32x2048xf32>
    %max3A_54 = arith.constant 0.000000e+00 : f32
    %max3A_55 = vector.broadcast %max3A_54 : f32 to vector<32x2048xf32>
    %max3A_56 = arith.maximumf %add3A_53, %max3A_55 : vector<32x2048xf32>
    %get3A_57 = arith.constant 0 : index
    %get3A_58 = arith.constant 0 : index
    %get3A_59 = vector.load %arg8[%get3A_57, %get3A_58] : memref<64x32xf32, #tpu.memory_space<vmem>>, vector<64x32xf32>
    %dot_general3A_60 = arith.constant dense<0.000000e+00> : vector<64x2048xf32>
    %dot_general3A_61 = tpu.matmul %get3A_59, %max3A_56, %dot_general3A_60 {dimension_numbers = #tpu.dot_dimension_numbers<[1], [0], [0], [1], [0, 0, 1, 1], [], []>, precision = #tpu.contract_precision<fp32>, transpose_lhs_hint = false} : vector<64x32xf32>, vector<32x2048xf32>, vector<64x2048xf32> -> vector<64x2048xf32>
    %slice3A_62 = vector.extract_strided_slice %get3A_13 {offsets = [0, 0], sizes = [64, 1], strides = [1, 1]} : vector<128x1xf32> to vector<64x1xf32>
    %mul3A_63 = vector.broadcast %slice3A_62 : vector<64x1xf32> to vector<64x2048xf32>
    %mul3A_64 = arith.mulf %dot_general3A_61, %mul3A_63 : vector<64x2048xf32>
    %slice3A_65 = vector.extract_strided_slice %get3A_16 {offsets = [0, 0], sizes = [64, 1], strides = [1, 1]} : vector<128x1xf32> to vector<64x1xf32>
    %add3A_66 = vector.broadcast %slice3A_65 : vector<64x1xf32> to vector<64x2048xf32>
    %add3A_67 = arith.addf %mul3A_64, %add3A_66 : vector<64x2048xf32>
    %max3A_68 = arith.constant 0.000000e+00 : f32
    %max3A_69 = vector.broadcast %max3A_68 : f32 to vector<64x2048xf32>
    %max3A_70 = arith.maximumf %add3A_67, %max3A_69 : vector<64x2048xf32>
    %eq3A = arith.constant 0 : i32
    %eq3A_71 = arith.cmpi eq, %arg2, %eq3A : i32
    %convert_element_type3A = arith.extui %eq3A_71 : i1 to i32
    %cond3A = arith.constant 0 : i32
    %cond3A_72 = arith.cmpi ne, %convert_element_type3A, %cond3A : i32
    scf.if %cond3A_72 {
      %swap3A = arith.constant 0 : index
      %swap3A_77 = arith.constant 0 : index
      %swap3A_78 = arith.constant 0 : index
      %swap3A_79 = vector.load %arg15[%swap3A, %swap3A_77, %swap3A_78] : memref<1x64x2048xf32, #tpu.memory_space<vmem>>, vector<1x64x2048xf32>
      %swap3A_80 = vector.shape_cast %swap3A_79 : vector<1x64x2048xf32> to vector<64x2048xf32>
      %swap3A_81 = vector.shape_cast %max3A_70 : vector<64x2048xf32> to vector<1x64x2048xf32>
      tpu.vector_store %arg15[%swap3A, %swap3A_77, %swap3A_78], %swap3A_81 {strides = array<i32>} : memref<1x64x2048xf32, #tpu.memory_space<vmem>>, vector<1x64x2048xf32>,
    } else {
    }
    %ne3A = arith.constant 0 : i32
    %ne3A_73 = arith.cmpi ne, %arg2, %ne3A : i32
    %convert_element_type3A_74 = arith.extui %ne3A_73 : i1 to i32
    %cond3A_75 = arith.constant 0 : i32
    %cond3A_76 = arith.cmpi ne, %convert_element_type3A_74, %cond3A_75 : i32
    scf.if %cond3A_76 {
      %get3A_77 = arith.constant 0 : index
      %get3A_78 = arith.constant 0 : index
      %get3A_79 = arith.constant 0 : index
      %get3A_80 = vector.load %arg15[%get3A_77, %get3A_78, %get3A_79] : memref<1x64x2048xf32, #tpu.memory_space<vmem>>, vector<1x64x2048xf32>
      %get3A_81 = vector.shape_cast %get3A_80 : vector<1x64x2048xf32> to vector<64x2048xf32>
      %max3A_82 = arith.maximumf %get3A_81, %max3A_70 : vector<64x2048xf32>
      %swap3A = arith.constant 0 : index
      %swap3A_83 = arith.constant 0 : index
      %swap3A_84 = arith.constant 0 : index
      %swap3A_85 = vector.load %arg15[%swap3A, %swap3A_83, %swap3A_84] : memref<1x64x2048xf32, #tpu.memory_space<vmem>>, vector<1x64x2048xf32>
      %swap3A_86 = vector.shape_cast %swap3A_85 : vector<1x64x2048xf32> to vector<64x2048xf32>
      %swap3A_87 = vector.shape_cast %max3A_82 : vector<64x2048xf32> to vector<1x64x2048xf32>
      tpu.vector_store %arg15[%swap3A, %swap3A_83, %swap3A_84], %swap3A_87 {strides = array<i32>} : memref<1x64x2048xf32, #tpu.memory_space<vmem>>, vector<1x64x2048xf32>,
    } else {
    }
    return
  }
  func.func @transform_0(%arg0: i32, %arg1: i32, %arg2: i32) -> (i32, i32, i32, i32) {
    %c0_i32 = arith.constant 0 : i32
    %c0_i32_0 = arith.constant 0 : i32
    return %arg0, %arg2, %c0_i32, %arg1 : i32, i32, i32, i32
  }
  func.func @transform_1(%arg0: i32, %arg1: i32, %arg2: i32) -> (i32, i32, i32) {
    %c0_i32 = arith.constant 0 : i32
    %c0_i32_0 = arith.constant 0 : i32
    return %arg0, %c0_i32, %arg1 : i32, i32, i32
  }
  func.func @transform_2(%arg0: i32, %arg1: i32, %arg2: i32) -> (i32, i32) {
    %c0_i32 = arith.constant 0 : i32
    %c0_i32_0 = arith.constant 0 : i32
    %c0_i32_1 = arith.constant 0 : i32
    return %c0_i32, %c0_i32_0 : i32, i32
  }
  func.func @transform_3(%arg0: i32, %arg1: i32, %arg2: i32) -> (i32, i32) {
    %c0_i32 = arith.constant 0 : i32
    %c0_i32_0 = arith.constant 0 : i32
    %c0_i32_1 = arith.constant 0 : i32
    return %c0_i32, %c0_i32_0 : i32, i32
  }
  func.func @transform_4(%arg0: i32, %arg1: i32, %arg2: i32) -> (i32, i32) {
    %c0_i32 = arith.constant 0 : i32
    %c0_i32_0 = arith.constant 0 : i32
    %c0_i32_1 = arith.constant 0 : i32
    return %c0_i32, %c0_i32_0 : i32, i32
  }
  func.func @transform_5(%arg0: i32, %arg1: i32, %arg2: i32) -> (i32, i32) {
    %c0_i32 = arith.constant 0 : i32
    %c0_i32_0 = arith.constant 0 : i32
    %c0_i32_1 = arith.constant 0 : i32
    return %c0_i32, %c0_i32_0 : i32, i32
  }
  func.func @transform_6(%arg0: i32, %arg1: i32, %arg2: i32) -> (i32, i32) {
    %c0_i32 = arith.constant 0 : i32
    %c0_i32_0 = arith.constant 0 : i32
    %c0_i32_1 = arith.constant 0 : i32
    return %c0_i32, %c0_i32_0 : i32, i32
  }
  func.func @transform_7(%arg0: i32, %arg1: i32, %arg2: i32) -> (i32, i32) {
    %c0_i32 = arith.constant 0 : i32
    %c0_i32_0 = arith.constant 0 : i32
    %c0_i32_1 = arith.constant 0 : i32
    return %c0_i32, %c0_i32_0 : i32, i32
  }
  func.func @transform_8(%arg0: i32, %arg1: i32, %arg2: i32) -> (i32, i32) {
    %c0_i32 = arith.constant 0 : i32
    %c0_i32_0 = arith.constant 0 : i32
    %c0_i32_1 = arith.constant 0 : i32
    return %c0_i32, %c0_i32_0 : i32, i32
  }
  func.func @transform_9(%arg0: i32, %arg1: i32, %arg2: i32) -> (i32, i32) {
    %c0_i32 = arith.constant 0 : i32
    %c0_i32_0 = arith.constant 0 : i32
    %c0_i32_1 = arith.constant 0 : i32
    return %c0_i32, %c0_i32_0 : i32, i32
  }
  func.func @transform_10(%arg0: i32, %arg1: i32, %arg2: i32) -> (i32, i32) {
    %c0_i32 = arith.constant 0 : i32
    %c0_i32_0 = arith.constant 0 : i32
    %c0_i32_1 = arith.constant 0 : i32
    return %c0_i32, %c0_i32_0 : i32, i32
  }
  func.func @transform_11(%arg0: i32, %arg1: i32, %arg2: i32) -> (i32, i32) {
    %c0_i32 = arith.constant 0 : i32
    %c0_i32_0 = arith.constant 0 : i32
    %c0_i32_1 = arith.constant 0 : i32
    return %c0_i32, %c0_i32_0 : i32, i32
  }
  func.func @transform_12(%arg0: i32, %arg1: i32, %arg2: i32) -> (i32, i32, i32) {
    %c0_i32 = arith.constant 0 : i32
    %c0_i32_0 = arith.constant 0 : i32
    return %arg0, %c0_i32, %arg1 : i32, i32, i32
  }
}

</mosaic_0001>

<sc_bundles>
// kernel: kernel.8.cloned.1.call-start
scs
__scs_entry_jumppad:
0x0: {  	(pc) =	sbr.rel $0x88, $3  }
0x1: {  	(tag) =	ssettag $0x0;
	lr =	simm.s32 $0x1  }
0x2: {  	[smem:$0x3F97] =	sst lr;
	_ =	strace $0xD0000000  }
0x3: {  	_ = 	snop  }
0x4: {  	_ = 	snop  }
0x5: {  	_ = 	snop  }
0x6: {  	_ = 	snop  }
0x7: {  	_ = 	snop  }
__scs_overlays_trampoline_lowered:
0x8: {  	[smem:$0x3FA6] =	sst s0  }
0x9: {  	[smem:$0x3FA7] =	sst s1  }
0xa: {  	[smem:$0x3FA8] =	sst s2  }
0xb: {  	[smem:$0x3FA9] =	sst s3  }
0xc: {  	[smem:$0x3FAA] =	sst s4  }
0xd: {  	[smem:$0x3FAB] =	sst s5  }
0xe: {  	[smem:$0x3FAC] =	sst s6  }
0xf: {  	[smem:$0x3FAD] =	sst s7  }
0x10: {  	[smem:$0x3FAE] =	sst s8  }
0x11: {  	[smem:$0x3FAF] =	sst s9;
	s0 =	simm.s32 @!p0 $0x0  }
0x12: {  	s1 =	sld [smem:$0x3F95];
	s0 =	simm.s32 @p0 $0x1  }
0x13: {  	[smem:$0x3FB0] =	sst s0;
	s0 =	simm.s32 @!p1 $0x0  }
0x14: {  	s2 =	sld [smem:$0x3F94];
	s0 =	simm.s32 @p1 $0x1  }
0x15: {  	[smem:$0x3FB1] =	sst s0;
	s0 =	simm.s32 @!p2 $0x0  }
0x16: {  	s3 =	sld [smem:$0x3FDB];
	s0 =	simm.s32 @p2 $0x1  }
0x17: {  	s4 =	simm.s32 $0x1BF5;
	[smem:$0x3FB3] =	sst s0  }
0x18: {  	s0 =	sld [smem:$0x3F96];
	_ =	swait.ge [sflag:s4], $0x0  }
0x19: {  	s7 =	sld [smem:$0x3F97]  }
0x1a: {  	s8 =	sadd.s32 $0xFFFFE003, lr  }
0x1b: {  	s9 =	sadd.s32 $0xFFFFFEF7, lr;
	s5 =	simm.s32 $0xFFFFFFFF;
	p2 =	slt.u32 s8, $0xFFFFF086  }
0x1c: {  	p1 =	slt.u32 s9, $0xF7A;
	s5 =	simm.s32 @!p2 $0x0  }
0x1d: {  	s5 =	simm.s32 @p1 $0x1;
	p0 =	seq.s32 s7, s2  }
0x1e: {  	s7 =	smul.u32 @!p0 $0xF7A, s2;
	p2 =	seq.s32 @!p0 s5, $0x0  }
0x1f: {  	s9 =	smul.u32 $0xF7A, s1;
	s8 =	simm.s32 @!p0 $0x1BF5;
	p2 =	por !p2, p0  }
0x20: {  	[sflag:s8] =	ssyncset.s32 @!p0 $0xFFFFF086;
	s6 =	sadd.s32 @!p0 s3, s7;
	s7 =	simm.s32 @!p0 $0x108  }
0x21: {  	s3 =	sadd.s32 s3, s9;
	s6 =	sadd.s32 @!p0 $0x88, s6;
	s7 =	simm.s32 @p2 $0x1082  }
0x22: {  	[simem:s7], [sflag:s8] =	dma.local @!p0 [hbm:s6], $0xF7A  }
0x23: {  	s9 =	sor.u32 $0xD0000000, s2;
	s6 =	simm.s32 $0x108;
	_ =	swait.ge @!p0 [sflag:s8], $0x0  }
0x24: {  	s3 =	sadd.s32 $0x88, s3;
	s6 =	simm.s32 @!p1 $0x1082;
	[sflag:s4] =	ssyncset.s32 $0xFFFFF086  }
0x25: {  	[simem:s6], [sflag:s4] =	dma.local [hbm:s3], $0xF7A  }
0x26: {  	[smem:$0x3F97] =	sst s1;
	(tag) =	ssettag s2;
	_ =	strace s9  }
0x27: {  	s1 =	sld [smem:$0x3FA7]  }
0x28: {  	s2 =	sld [smem:$0x3FA8]  }
0x29: {  	s4 =	sld [smem:$0x3FAA]  }
0x2a: {  	p0 =	seq.s32 s5, $0x0;
	s5 =	sld [smem:$0x3FAB]  }
0x2b: {  	s6 =	sld [smem:$0x3FAC]  }
0x2c: {  	s7 =	sld [smem:$0x3FAD]  }
0x2d: {  	s3 =	simm.s32 $0x108;
	s8 =	sld [smem:$0x3FAE]  }
0x2e: {  	s3 =	simm.s32 @!p0 $0x1082;
	s9 =	sld [smem:$0x3FAF]  }
0x2f: {  	lr =	sadd.s32 s0, s3;
	s0 =	sld [smem:$0x3FA6]  }
0x30: {  	s3 =	sld [smem:$0x3FA9]  }
0x31: {  	[smem:$0x3FB2] =	sst s10  }
0x32: {  	s10 =	sld [smem:$0x3FB0];
	_ =	sdelay $0x3  }
0x33: {  	p0 =	seq.s32 s10, $0x1;
	s10 =	sld [smem:$0x3FB2];
	_ =	sdelay $0x3  }
0x34: {  	[smem:$0x3FB2] =	sst s10  }
0x35: {  	s10 =	sld [smem:$0x3FB1];
	_ =	sdelay $0x3  }
0x36: {  	p1 =	seq.s32 s10, $0x1;
	s10 =	sld [smem:$0x3FB2];
	_ =	sdelay $0x3  }
0x37: {  	[smem:$0x3FB2] =	sst s10  }
0x38: {  	s10 =	sld [smem:$0x3FB3]  }
0x39: {  	_ = 	snop;
	(pc) =	sbr.ind lr, $3  }
0x3a: {  	_ = 	snop  }
0x3b: {  	_ = 	snop  }
0x3c: {  	p2 =	seq.s32 s10, $0x1;
	s10 =	sld [smem:$0x3FB2]  }
0x3d: {  	_ =	shalt  }
0x3e: {  	_ =	shalt  }
0x3f: {  	_ =	shalt  }
0x40: {  	_ =	shalt  }
0x41: {  	_ =	shalt  }
0x42: {  	_ =	shalt  }
0x43: {  	_ =	shalt  }
0x44: {  	_ =	shalt  }
0x45: {  	_ =	shalt  }
0x46: {  	_ =	shalt  }
0x47: {  	_ =	shalt  }
0x48: {  	_ =	shalt  }
0x49: {  	_ =	shalt  }
0x4a: {  	_ =	shalt  }
0x4b: {  	_ =	shalt  }
0x4c: {  	_ =	shalt  }
0x4d: {  	_ =	shalt  }
0x4e: {  	_ =	shalt  }
0x4f: {  	_ =	shalt  }
0x50: {  	_ =	shalt  }
0x51: {  	_ =	shalt  }
0x52: {  	_ =	shalt  }
0x53: {  	_ =	shalt  }
0x54: {  	_ =	shalt  }
0x55: {  	_ =	shalt  }
0x56: {  	_ =	shalt  }
0x57: {  	_ =	shalt  }
0x58: {  	_ =	shalt  }
0x59: {  	_ =	shalt  }
0x5a: {  	_ =	shalt  }
0x5b: {  	_ =	shalt  }
0x5c: {  	_ =	shalt  }
0x5d: {  	_ =	shalt  }
0x5e: {  	_ =	shalt  }
0x5f: {  	_ =	shalt  }
0x60: {  	_ =	shalt  }
0x61: {  	_ =	shalt  }
0x62: {  	_ =	shalt  }
0x63: {  	_ =	shalt  }
0x64: {  	_ =	shalt  }
0x65: {  	_ =	shalt  }
0x66: {  	_ =	shalt  }
0x67: {  	_ =	shalt  }
0x68: {  	_ =	shalt  }
0x69: {  	_ =	shalt  }
0x6a: {  	_ =	shalt  }
0x6b: {  	_ =	shalt  }
0x6c: {  	_ =	shalt  }
0x6d: {  	_ =	shalt  }
0x6e: {  	_ =	shalt  }
0x6f: {  	_ =	shalt  }
0x70: {  	_ =	shalt  }
0x71: {  	_ =	shalt  }
0x72: {  	_ =	shalt  }
0x73: {  	_ =	shalt  }
0x74: {  	_ =	shalt  }
0x75: {  	_ =	shalt  }
0x76: {  	_ =	shalt  }
0x77: {  	_ =	shalt  }
0x78: {  	_ =	shalt  }
0x79: {  	_ =	shalt  }
0x7a: {  	_ =	shalt  }
0x7b: {  	_ =	shalt  }
0x7c: {  	_ =	shalt  }
0x7d: {  	_ =	shalt  }
0x7e: {  	_ =	shalt  }
0x7f: {  	_ =	shalt  }
0x80: {  	_ =	shalt  }
0x81: {  	_ =	shalt  }
0x82: {  	_ =	shalt  }
0x83: {  	_ =	shalt  }
0x84: {  	_ =	shalt  }
0x85: {  	_ =	shalt  }
0x86: {  	_ =	shalt  }
0x87: {  	_ =	shalt  }
.Lfunc_end0:
.L_simem_size_0:
called_computation_lowered:
.L_overlay_start_0:
0x88: {  	s2 =	sld [smem:$0x3FD9]  }
0x89: {  	s3 =	sld [smem:$0x3FFE];
	_ =	sdelay $0x1  }
0x8a: {  	s1 =	srdreg.scid  }
0x8b: {  	s0 =	sand.u32 $0x1, s1  }
0x8c: {  	s14 =	sshll.u32 s0, $0xA;
	s2 =	sadd.s32 s3, s2  }
0x8d: {  	s2 =	sadd.s32 s2, s14  }
0x8e: {  	[smem:$0x3FBE] =	sst s2  }
0x8f: {  	_ = 	snop  }
0x90: {  	s2 =	sld [smem:$0x3FD0];
	_ =	sdelay $0x2  }
0x91: {  	s15 =	simm.s32 $0xA;
	s4 =	simm.s32 $0x10  }
0x92: {  	[smem:s4], [sflag:s15] =	dma.local [hbm:s2], $0x1  }
0x93: {  	_ =	swait.eq [sflag:s15], $0x1  }
0x94: {  	[sflag:s15] =	ssyncset.done $0x0  }
0x95: {  	[sflag:s15] =	ssyncadd.s32 $0xFFFFFFFF  }
0x96: {  	s16 =	sld [smem:$0x11];
	(tm) =	ssettm $0x1  }
0x97: {  	s17 =	sld [smem:$0x3FFB];
	_ =	sdelay $0x3  }
0x98: {  	_ =	strace s17  }
0x99: {  	s3 =	sld [smem:$0x3FFC];
	_ =	sdelay $0x3  }
0x9a: {  	_ =	strace s3  }
0x9b: {  	s3 =	sld [smem:$0x3FFD];
	_ =	sdelay $0x3  }
0x9c: {  	_ =	strace s3  }
0x9d: {  	_ =	strace $0x8FFFFFFF  }
0x9e: {  	s18 =	sld [smem:$0x3FDB];
	_ =	sdelay $0x1  }
0x9f: {  	s19 =	simm.s32 $_scs_section_size  }
0xa0: {  	s5 =	simm.s32 $_size__tile_overlayer_lowered;
	s6 =	simm.s32 $_tile_overlayer_lowered  }
0xa1: {  	s22 =	simm.s32 $0x1BFF;
	s21 =	sshll.u32 s6, $0x1;
	s3 =	sadd.s32 s19, s18  }
0xa2: {  	s7 =	simm.s32 $0x0;
	s20 =	sshll.u32 s5, $0x1;
	s5 =	sadd.s32 s21, s3  }
0xa3: {  	[timem:s7], [sflag:s22] =	dma.local [hbm:s5], s20  }
0xa4: {  	_ =	swait.ge [sflag:s22], s20  }
0xa5: {  	s4 =	ssub.s32 $0x0, s20;
	[sflag:s22] =	ssyncset.done $0x0  }
0xa6: {  	[sflag:s22] =	ssyncadd.s32 s4;
	_ =	sdelay $0x1  }
0xa7: {  	s23 =	simm.s32 $0x1B8B  }
0xa8: {  	_ =	swait.ge [sflag:s23], $0x1  }
0xa9: {  	[sflag:s23] =	ssyncset.done $0x0  }
0xaa: {  	s25 =	simm.s32 $0x1B8E;
	s24 =	sld [smem:$0x3FFE];
	[sflag:s23] =	ssyncadd.s32 $0xFFFFFFFF  }
0xab: {  	s26 =	simm.s32 $execute0_lowered;
	[smem:$0x3FD2] =	sst s25  }
0xac: {  	s5 =	sshll.u32 s26, $0x1;
	_ =	strace $0x80000046;
	[dreg:$0x1] =	wrdreg $0xFFFFFFFF  }
0xad: {  	s28 =	simm.s32 $_size_execute0_lowered;
	s3 =	sadd.s32 s3, s5;
	[dreg:$0x0] =	wrdreg $0x0  }
0xae: {  	s5 =	sshll.u32 s28, $0x1;
	[dreg:$0x2] =	wrdreg s3  }
0xaf: {  	[dreg:$0x3] =	wrdreg s5  }
0xb0: {  	[dreg:$0x4] =	wrdreg $0xC0  }
0xb1: {  	_ =	task [dreg:s7], $0x5FFFF  }
0xb2: {  	[dreg:$0x1] =	wrdreg $0xFFFFFFFF  }
0xb3: {  	[dreg:$0x0] =	wrdreg $0x60  }
0xb4: {  	[dreg:$0x2] =	wrdreg s24  }
0xb5: {  	[dreg:$0x3] =	wrdreg s16  }
0xb6: {  	[dreg:$0x4] =	wrdreg $0x9  }
0xb7: {  	_ =	task.clear_ibuf [dreg:s7], $0x5FFFF;
	_ =	strace $0x90000046  }
0xb8: {  	s29 =	simm.s32 $0x9;
	_ =	strace $0x80000048  }
0xb9: {  	_ =	swait.ge [sflag:s29], $0x1  }
0xba: {  	[sflag:s29] =	ssyncadd.s32 $0xFFFFFFFF  }
0xbb: {  	_ =	strace $0x90000048  }
0xbc: {  	_ =	sfence  }
0xbd: {  	s30 =	sld [smem:$0x0];
	_ =	sdelay $0x2  }
0xbe: {  	s31 =	sshll.u32 s1, $0xD;
	s1 =	sshrl.u32 s1, $0x2  }
0xbf: {  	s3 =	sand.u32 $0x4000, s31;
	s1 =	sadd.s32 s1, s30  }
0xc0: {  	s0 =	sor.u32 s3, s0;
	s1 =	sshll.u32 s1, $0x11  }
0xc1: {  	s0 =	sor.u32 s1, s0  }
0xc2: {  	s0 =	sadd.s32 $0x8F2B, s0  }
0xc3: {  	[sflag:s0] =	ssyncadd.remote.s32 $0x1  }
0xc4: {  	_ =	sfence.sel $0xFFFF  }
0xc5: {  	[dreg:$0x0] =	wrdreg $0xFFFFFFFF;
	(pc) =	sbr.abs _section_cstart, $3  }
0xc6: {  	[dreg:$0x1] =	wrdreg $0xFFFFFFFF  }
0xc7: {  	_ =	task.clear_ibuf [dreg:s7], $0x2FFFF;
	_ =	strace $0x9FFFFFFF  }
0xc8: {  	(tm) =	ssettm $0x7FFFFFFF  }
0xc9: {  	_ =	shalt  }
tec
execute0_lowered:
.L_overlay_start_1:
0x0: {  	(tag) =	ssettag $0x1  }
0x1: {  	s7 =	rddreg [dreg:$0x0]  }
0x2: {  	s16 =	rddreg [dreg:$0x1]  }
0x3: {  	s0 =	rddreg [dreg:$0x2]  }
0x4: {  	s2 =	simm.s32 $0x0;
	s3 =	srdreg.scid;
	s1 =	stileid.u32  }
0x5: {  	[smem:$0x7FF] =	sst s2;
	s3 =	sand.u32 $0x1, s3;
	s5 =	sshll.u32 s1, $0x1  }
0x6: {  	s6 =	sshrl.u32 s1, $0x2;
	s17 =	sadd.s32 $0x1800, s7;
	s18 =	sadd.s32 $0x1A00, s7  }
0x7: {  	s19 =	sadd.s32 $0x1C00, s7;
	_ =	strace $0x80000047;
	s4 =	ssub.s32 $0x2, s3  }
0x8: {  	s13 =	sor.u32 s3, s5;
	s23 =	smul.u32 $0x600, s6;
	s8 =	sshrl.u32 s4, $0x1  }
0x9: {  	s11 =	sshll.u32 s13, $0x2;
	s24 =	sshll.u32 s13, $0xB;
	s25 =	smul.u32 $0x1800, s13  }
0xa: {  	s22 =	sshllo.u32 s13, $0x2;
	s20 =	ssub.s32 s4, s8;
	s3 =	sadd.s32 s7, s23  }
0xb: {  	s4 =	sadd.s32 s16, s24;
	s9 =	sor.u32 $0x1, s11;
	s23 =	smul.u32 $0x3000, s22  }
0xc: {  	s14 =	sor.u32 $0x2, s11;
	s30 =	sshll.u32 s22, $0x9;
	s22 =	smul.u32 $0x600, s22  }
0xd: {  	s24 =	simm.s32 $0x4000;
	s5 =	sadd.s32 s17, s25;
	s10 =	smul.u32 $0x3000, s9  }
0xe: {  	s6 =	sadd.s32 s25, s18;
	s12 =	sshll.u32 s9, $0x9;
	s9 =	smul.u32 $0x600, s9  }
0xf: {  	s7 =	sadd.s32 s25, s19;
	s28 =	sshll.u32 s14, $0x9;
	s15 =	smul.u32 $0x600, s14  }
0x10: {  	s21 =	smul.u32 $0x3000, s14;
	s20 =	smax.u32 s20, $0x1;
	s25 =	simm.s32 $0x0  }
0x11: {  	s8 =	sadd.s32 s16, s12;
	s12 =	sadd.s32 s16, s28;
	s16 =	sadd.s32 s16, s30  }
0x12: {  	s31 =	sshrl.u32 s23, $0x3;
	s23 =	simm.s32 $0x6000;
	s26 =	sshrl.u32 s10, $0x3  }
0x13: {  	s9 =	sadd.s32 s17, s9;
	s13 =	sadd.s32 s17, s15;
	s14 =	sadd.s32 s15, s18  }
0x14: {  	s29 =	sshrl.u32 s21, $0x3;
	s17 =	sadd.s32 s17, s22;
	s21 =	simm.s32 $0x1  }
0x15: {  	s10 =	sadd.s32 s26, s18;
	s11 =	sadd.s32 s26, s19;
	s15 =	sadd.s32 s29, s19  }
0x16: {  	s18 =	sadd.s32 s31, s18;
	s19 =	sadd.s32 s22, s19;
	s22 =	simm.s32 $0x5000  }
.LBB2_1:
0x17: {  	[tilespmem:s2], [sflag:$0x1] =	stream.linear.gather [hbm4b:s3+s2], $0x3000, $0x38;
	[tilespmem:$0x7000] =	vst v63  }
0x18: {  	_ =	swait.ge [sflag:s21], $0x3000  }
0x19: {  	[sflag:s21] =	ssyncset.done $0x0  }
0x1a: {  	s26 =	simm.s32 $0x3000;
	[sflag:s21] =	ssyncadd.s32 $0xFFFFD000  }
0x1b: {  	[tilespmem:s26], [sflag:$0x1] =	stream.linear.gather [hbm4b:s4+s2], $0x1000, $0x38;
	[tilespmem:$0x7000] =	vst v63  }
0x1c: {  	_ =	swait.ge [sflag:s21], $0x1000  }
0x1d: {  	[sflag:s21] =	ssyncset.done $0x0  }
0x1e: {  	[sflag:s21] =	ssyncadd.s32 $0xFFFFF000  }
0x1f: {  	v0 =	vld [tilespmem:s26+$0x0];
	_ =	sdelay $0x7  }
0x20: {  	v1 =	vld.idx.msk [tilespmem:v0+s2+$0x0], $0xffff  }
0x21: {  	v2 =	vadd.s32 $0x1000, v0;
	_ =	sdelay $0x3  }
0x22: {  	[tilespmem:s24+$0x0] =	vst v1  }
0x23: {  	v1 =	vld.idx.msk [tilespmem:v2+s2+$0x0], $0xffff  }
0x24: {  	v0 =	vadd.s32 $0x2000, v0;
	_ =	sdelay $0x2  }
0x25: {  	s30 =	sand.u32 $0xFF0, s2  }
0x26: {  	[tilespmem:s30+$0x5000] =	vst v1  }
0x27: {  	s28 =	simm.s32 $0x10;
	s29 =	simm.s32 $0x4000;
	v0 =	vld.idx.msk [tilespmem:v0+s2+$0x0], $0xffff  }
.LBB2_2:
0x28: {  	_ =	sdelay $0x3  }
0x29: {  	p0 =	sne.s32 s28, $0xFF0;
	s26 =	sadd.s32 $0x10, s26;
	s29 =	sadd.s32 $0x10, s29;
	[tilespmem:s30+$0x6000] =	vst v0  }
0x2a: {  	s30 =	smov.u32 s28;
	s28 =	sadd.s32 $0x10, s28;
	v0 =	vld [tilespmem:s26+$0x0];
	_ =	sdelay $0x7  }
0x2b: {  	v1 =	vld.idx.msk [tilespmem:v0+s2+$0x0], $0xffff;
	_ =	sdelay $0x1  }
0x2c: {  	v2 =	vadd.s32 $0x1000, v0;
	_ =	sdelay $0x3  }
0x2d: {  	[tilespmem:s29+$0x0] =	vst v1  }
0x2e: {  	v1 =	vld.idx.msk [tilespmem:v2+s2+$0x0], $0xffff;
	_ =	sdelay $0x1  }
0x2f: {  	v0 =	vadd.s32 $0x2000, v0  }
.Ltmp0:
0x30: {  	(pc) =	sbr.rel @p0 .LBB2_2-.Ltmp0, $4  }
0x31: {  	_ = 	snop  }
0x32: {  	s30 =	sand.u32 $0xFF0, s30  }
0x33: {  	[tilespmem:s30+$0x5000] =	vst v1  }
0x34: {  	v0 =	vld.idx.msk [tilespmem:v0+s2+$0x0], $0xffff  }
0x35: {  	_ =	sdelay $0x3  }
0x36: {  	s29 =	simm.s32 $0x0;
	s26 =	simm.s32 $0x4000;
	[tilespmem:s30+$0x6000] =	vst v0  }
0x37: {  	[hbm4b:s5+s29] =	stream.linear.scatter [tilespmem:s26], [sflag:$0x1], $0x1000, $0x38;
	[tilespmem:$0x7000] =	vst v63  }
0x38: {  	_ =	swait.ge [sflag:s21], $0x1000  }
0x39: {  	[sflag:s21] =	ssyncset.done $0x0  }
0x3a: {  	[sflag:s21] =	ssyncadd.s32 $0xFFFFF000  }
0x3b: {  	[hbm4b:s6+s29] =	stream.linear.scatter [tilespmem:s22], [sflag:$0x1], $0x1000, $0x38;
	[tilespmem:$0x7000] =	vst v63  }
0x3c: {  	_ =	swait.ge [sflag:s21], $0x1000  }
0x3d: {  	[sflag:s21] =	ssyncset.done $0x0  }
0x3e: {  	[sflag:s21] =	ssyncadd.s32 $0xFFFFF000  }
0x3f: {  	[hbm4b:s7+s29] =	stream.linear.scatter [tilespmem:s23], [sflag:$0x1], $0x1000, $0x38;
	[tilespmem:$0x7000] =	vst v63  }
0x40: {  	_ =	swait.ge [sflag:s21], $0x1000  }
0x41: {  	[sflag:s21] =	ssyncset.done $0x0  }
0x42: {  	[sflag:s21] =	ssyncadd.s32 $0xFFFFF000  }
0x43: {  	[tilespmem:s29], [sflag:$0x1] =	stream.linear.gather [hbm4b:s3+s29], $0x3000, $0x38;
	[tilespmem:$0x7000] =	vst v63  }
0x44: {  	_ =	swait.ge [sflag:s21], $0x3000  }
0x45: {  	[sflag:s21] =	ssyncset.done $0x0  }
0x46: {  	s28 =	simm.s32 $0x3000;
	[sflag:s21] =	ssyncadd.s32 $0xFFFFD000  }
0x47: {  	[tilespmem:s28], [sflag:$0x1] =	stream.linear.gather [hbm4b:s8+s29], $0x1000, $0x38;
	[tilespmem:$0x7000] =	vst v63  }
0x48: {  	_ =	swait.ge [sflag:s21], $0x1000  }
0x49: {  	[sflag:s21] =	ssyncset.done $0x0  }
0x4a: {  	[sflag:s21] =	ssyncadd.s32 $0xFFFFF000  }
0x4b: {  	v0 =	vld [tilespmem:s28+$0x0];
	_ =	sdelay $0x7  }
0x4c: {  	v1 =	vld.idx.msk [tilespmem:v0+s2+$0x0], $0xffff  }
0x4d: {  	v2 =	vadd.s32 $0x1000, v0;
	_ =	sdelay $0x3  }
0x4e: {  	[tilespmem:s26+$0x0] =	vst v1  }
0x4f: {  	v1 =	vld.idx.msk [tilespmem:v2+s2+$0x0], $0xffff  }
0x50: {  	v0 =	vadd.s32 $0x2000, v0;
	_ =	sdelay $0x2  }
0x51: {  	s30 =	sand.u32 $0xFF0, s29  }
0x52: {  	[tilespmem:s30+$0x5000] =	vst v1  }
0x53: {  	s29 =	simm.s32 $0x10;
	v0 =	vld.idx.msk [tilespmem:v0+s2+$0x0], $0xffff  }
.LBB2_4:
0x54: {  	_ =	sdelay $0x3  }
0x55: {  	p0 =	sne.s32 s29, $0xFF0;
	s28 =	sadd.s32 $0x10, s28;
	s26 =	sadd.s32 $0x10, s26;
	[tilespmem:s30+$0x6000] =	vst v0  }
0x56: {  	s30 =	smov.u32 s29;
	s29 =	sadd.s32 $0x10, s29;
	v0 =	vld [tilespmem:s28+$0x0];
	_ =	sdelay $0x7  }
0x57: {  	v1 =	vld.idx.msk [tilespmem:v0+s2+$0x0], $0xffff;
	_ =	sdelay $0x1  }
0x58: {  	v2 =	vadd.s32 $0x1000, v0;
	_ =	sdelay $0x3  }
0x59: {  	[tilespmem:s26+$0x0] =	vst v1  }
0x5a: {  	v1 =	vld.idx.msk [tilespmem:v2+s2+$0x0], $0xffff;
	_ =	sdelay $0x1  }
0x5b: {  	v0 =	vadd.s32 $0x2000, v0  }
.Ltmp1:
0x5c: {  	(pc) =	sbr.rel @p0 .LBB2_4-.Ltmp1, $4  }
0x5d: {  	_ = 	snop  }
0x5e: {  	s30 =	sand.u32 $0xFF0, s30  }
0x5f: {  	[tilespmem:s30+$0x5000] =	vst v1  }
0x60: {  	v0 =	vld.idx.msk [tilespmem:v0+s2+$0x0], $0xffff  }
0x61: {  	_ =	sdelay $0x3  }
0x62: {  	s29 =	simm.s32 $0x0;
	s26 =	simm.s32 $0x4000;
	[tilespmem:s30+$0x6000] =	vst v0  }
0x63: {  	[hbm4b:s9+s29] =	stream.linear.scatter [tilespmem:s26], [sflag:$0x1], $0x1000, $0x38;
	[tilespmem:$0x7000] =	vst v63  }
0x64: {  	_ =	swait.ge [sflag:s21], $0x1000  }
0x65: {  	[sflag:s21] =	ssyncset.done $0x0  }
0x66: {  	[sflag:s21] =	ssyncadd.s32 $0xFFFFF000  }
0x67: {  	[hbm4b:s10+s29] =	stream.linear.scatter [tilespmem:s22], [sflag:$0x1], $0x1000, $0x38;
	[tilespmem:$0x7000] =	vst v63  }
0x68: {  	_ =	swait.ge [sflag:s21], $0x1000  }
0x69: {  	[sflag:s21] =	ssyncset.done $0x0  }
0x6a: {  	[sflag:s21] =	ssyncadd.s32 $0xFFFFF000  }
0x6b: {  	[hbm4b:s11+s29] =	stream.linear.scatter [tilespmem:s23], [sflag:$0x1], $0x1000, $0x38;
	[tilespmem:$0x7000] =	vst v63  }
0x6c: {  	_ =	swait.ge [sflag:s21], $0x1000  }
0x6d: {  	[sflag:s21] =	ssyncset.done $0x0  }
0x6e: {  	[sflag:s21] =	ssyncadd.s32 $0xFFFFF000  }
0x6f: {  	[tilespmem:s29], [sflag:$0x1] =	stream.linear.gather [hbm4b:s3+s29], $0x3000, $0x38;
	[tilespmem:$0x7000] =	vst v63  }
0x70: {  	_ =	swait.ge [sflag:s21], $0x3000  }
0x71: {  	[sflag:s21] =	ssyncset.done $0x0  }
0x72: {  	s28 =	simm.s32 $0x3000;
	[sflag:s21] =	ssyncadd.s32 $0xFFFFD000  }
0x73: {  	[tilespmem:s28], [sflag:$0x1] =	stream.linear.gather [hbm4b:s12+s29], $0x1000, $0x38;
	[tilespmem:$0x7000] =	vst v63  }
0x74: {  	_ =	swait.ge [sflag:s21], $0x1000  }
0x75: {  	[sflag:s21] =	ssyncset.done $0x0  }
0x76: {  	[sflag:s21] =	ssyncadd.s32 $0xFFFFF000  }
0x77: {  	v0 =	vld [tilespmem:s28+$0x0];
	_ =	sdelay $0x7  }
0x78: {  	v1 =	vld.idx.msk [tilespmem:v0+s2+$0x0], $0xffff  }
0x79: {  	v2 =	vadd.s32 $0x1000, v0;
	_ =	sdelay $0x3  }
0x7a: {  	[tilespmem:s26+$0x0] =	vst v1  }
0x7b: {  	v1 =	vld.idx.msk [tilespmem:v2+s2+$0x0], $0xffff  }
0x7c: {  	v0 =	vadd.s32 $0x2000, v0;
	_ =	sdelay $0x2  }
0x7d: {  	s30 =	sand.u32 $0xFF0, s29  }
0x7e: {  	[tilespmem:s30+$0x5000] =	vst v1  }
0x7f: {  	s29 =	simm.s32 $0x10;
	v0 =	vld.idx.msk [tilespmem:v0+s2+$0x0], $0xffff  }
.LBB2_6:
0x80: {  	_ =	sdelay $0x3  }
0x81: {  	p0 =	sne.s32 s29, $0xFF0;
	s28 =	sadd.s32 $0x10, s28;
	s26 =	sadd.s32 $0x10, s26;
	[tilespmem:s30+$0x6000] =	vst v0  }
0x82: {  	s30 =	smov.u32 s29;
	s29 =	sadd.s32 $0x10, s29;
	v0 =	vld [tilespmem:s28+$0x0];
	_ =	sdelay $0x7  }
0x83: {  	v1 =	vld.idx.msk [tilespmem:v0+s2+$0x0], $0xffff;
	_ =	sdelay $0x1  }
0x84: {  	v2 =	vadd.s32 $0x1000, v0;
	_ =	sdelay $0x3  }
0x85: {  	[tilespmem:s26+$0x0] =	vst v1  }
0x86: {  	v1 =	vld.idx.msk [tilespmem:v2+s2+$0x0], $0xffff;
	_ =	sdelay $0x1  }
0x87: {  	v0 =	vadd.s32 $0x2000, v0  }
.Ltmp2:
0x88: {  	(pc) =	sbr.rel @p0 .LBB2_6-.Ltmp2, $4  }
0x89: {  	_ = 	snop  }
0x8a: {  	s30 =	sand.u32 $0xFF0, s30  }
0x8b: {  	[tilespmem:s30+$0x5000] =	vst v1  }
0x8c: {  	v0 =	vld.idx.msk [tilespmem:v0+s2+$0x0], $0xffff  }
0x8d: {  	_ =	sdelay $0x3  }
0x8e: {  	s29 =	simm.s32 $0x0;
	s26 =	simm.s32 $0x4000;
	[tilespmem:s30+$0x6000] =	vst v0  }
0x8f: {  	[hbm4b:s13+s29] =	stream.linear.scatter [tilespmem:s26], [sflag:$0x1], $0x1000, $0x38;
	[tilespmem:$0x7000] =	vst v63  }
0x90: {  	_ =	swait.ge [sflag:s21], $0x1000  }
0x91: {  	[sflag:s21] =	ssyncset.done $0x0  }
0x92: {  	[sflag:s21] =	ssyncadd.s32 $0xFFFFF000  }
0x93: {  	[hbm4b:s14+s29] =	stream.linear.scatter [tilespmem:s22], [sflag:$0x1], $0x1000, $0x38;
	[tilespmem:$0x7000] =	vst v63  }
0x94: {  	_ =	swait.ge [sflag:s21], $0x1000  }
0x95: {  	[sflag:s21] =	ssyncset.done $0x0  }
0x96: {  	[sflag:s21] =	ssyncadd.s32 $0xFFFFF000  }
0x97: {  	[hbm4b:s15+s29] =	stream.linear.scatter [tilespmem:s23], [sflag:$0x1], $0x1000, $0x38;
	[tilespmem:$0x7000] =	vst v63  }
0x98: {  	_ =	swait.ge [sflag:s21], $0x1000  }
0x99: {  	[sflag:s21] =	ssyncset.done $0x0  }
0x9a: {  	[sflag:s21] =	ssyncadd.s32 $0xFFFFF000  }
0x9b: {  	[tilespmem:s29], [sflag:$0x1] =	stream.linear.gather [hbm4b:s3+s29], $0x3000, $0x38;
	[tilespmem:$0x7000] =	vst v63  }
0x9c: {  	_ =	swait.ge [sflag:s21], $0x3000  }
0x9d: {  	[sflag:s21] =	ssyncset.done $0x0  }
0x9e: {  	s28 =	simm.s32 $0x3000;
	[sflag:s21] =	ssyncadd.s32 $0xFFFFD000  }
0x9f: {  	[tilespmem:s28], [sflag:$0x1] =	stream.linear.gather [hbm4b:s16+s29], $0x1000, $0x38;
	[tilespmem:$0x7000] =	vst v63  }
0xa0: {  	_ =	swait.ge [sflag:s21], $0x1000  }
0xa1: {  	[sflag:s21] =	ssyncset.done $0x0  }
0xa2: {  	[sflag:s21] =	ssyncadd.s32 $0xFFFFF000  }
0xa3: {  	v0 =	vld [tilespmem:s28+$0x0];
	_ =	sdelay $0x7  }
0xa4: {  	v1 =	vld.idx.msk [tilespmem:v0+s2+$0x0], $0xffff  }
0xa5: {  	v2 =	vadd.s32 $0x1000, v0;
	_ =	sdelay $0x3  }
0xa6: {  	[tilespmem:s26+$0x0] =	vst v1  }
0xa7: {  	v1 =	vld.idx.msk [tilespmem:v2+s2+$0x0], $0xffff  }
0xa8: {  	v0 =	vadd.s32 $0x2000, v0;
	_ =	sdelay $0x2  }
0xa9: {  	s30 =	sand.u32 $0xFF0, s29  }
0xaa: {  	[tilespmem:s30+$0x5000] =	vst v1  }
0xab: {  	s29 =	simm.s32 $0x10;
	v0 =	vld.idx.msk [tilespmem:v0+s2+$0x0], $0xffff  }
.LBB2_8:
0xac: {  	_ =	sdelay $0x3  }
0xad: {  	p0 =	sne.s32 s29, $0xFF0;
	s28 =	sadd.s32 $0x10, s28;
	s26 =	sadd.s32 $0x10, s26;
	[tilespmem:s30+$0x6000] =	vst v0  }
0xae: {  	s30 =	smov.u32 s29;
	s29 =	sadd.s32 $0x10, s29;
	v0 =	vld [tilespmem:s28+$0x0];
	_ =	sdelay $0x7  }
0xaf: {  	v1 =	vld.idx.msk [tilespmem:v0+s2+$0x0], $0xffff;
	_ =	sdelay $0x1  }
0xb0: {  	v2 =	vadd.s32 $0x1000, v0;
	_ =	sdelay $0x3  }
0xb1: {  	[tilespmem:s26+$0x0] =	vst v1  }
0xb2: {  	v1 =	vld.idx.msk [tilespmem:v2+s2+$0x0], $0xffff;
	_ =	sdelay $0x1  }
0xb3: {  	v0 =	vadd.s32 $0x2000, v0  }
.Ltmp3:
0xb4: {  	(pc) =	sbr.rel @p0 .LBB2_8-.Ltmp3, $4  }
0xb5: {  	_ = 	snop  }
0xb6: {  	s30 =	sand.u32 $0xFF0, s30  }
0xb7: {  	[tilespmem:s30+$0x5000] =	vst v1  }
0xb8: {  	v0 =	vld.idx.msk [tilespmem:v0+s2+$0x0], $0xffff  }
0xb9: {  	_ =	sdelay $0x3  }
0xba: {  	[tilespmem:s30+$0x6000] =	vst v0  }
0xbb: {  	[hbm4b:s17+s2] =	stream.linear.scatter [tilespmem:s24], [sflag:$0x1], $0x1000, $0x38;
	[tilespmem:$0x7000] =	vst v63  }
0xbc: {  	_ =	swait.ge [sflag:s21], $0x1000  }
0xbd: {  	[sflag:s21] =	ssyncset.done $0x0  }
0xbe: {  	[sflag:s21] =	ssyncadd.s32 $0xFFFFF000  }
0xbf: {  	[hbm4b:s18+s2] =	stream.linear.scatter [tilespmem:s22], [sflag:$0x1], $0x1000, $0x38;
	[tilespmem:$0x7000] =	vst v63  }
0xc0: {  	s25 =	sadd.s32 $0x1, s25;
	_ =	swait.ge [sflag:s21], $0x1000  }
0xc1: {  	p0 =	sne.s32 s25, s20;
	[sflag:s21] =	ssyncset.done $0x0  }
.Ltmp4:
0xc2: {  	[sflag:s21] =	ssyncadd.s32 $0xFFFFF000;
	(pc) =	sbr.rel @p0 .LBB2_1-.Ltmp4, $4  }
0xc3: {  	[hbm4b:s19+s2] =	stream.linear.scatter [tilespmem:s23], [sflag:$0x1], $0x1000, $0x38;
	[tilespmem:$0x7000] =	vst v63  }
0xc4: {  	_ =	swait.ge [sflag:s21], $0x1000  }
0xc5: {  	[sflag:s21] =	ssyncset.done $0x0  }
0xc6: {  	[sflag:s21] =	ssyncadd.s32 $0xFFFFF000  }
0xc7: {  	_ =	sfence.sel $0x180000  }
0xc8: {  	[bflag:$0x0] =	sbarrier.arrive $0xFFFF  }
0xc9: {  	p0 =	sne.s32 s1, $0x0;
	_ =	strace $0x90000047  }
0xca: {  	s0 =	sadd.s32 @!p0 $0x100000, s0;
	[bflag:$0x2] =	sbarrier.arrive $0xFFFF  }
0xcb: {  	[sflag:s0] =	ssyncadd.tile.s32 @!p0 $0x1;
	_ =	shalt  }
.Lfunc_end2:
_tile_overlayer_lowered:
.L_overlay_start_2:
0xcc: {  	(tag) =	ssettag $0x2  }
0xcd: {  	s0 =	rddreg [dreg:$0x0];
	s2 =	stileid.u32  }
0xce: {  	s1 =	rddreg [dreg:$0x1];
	p0 =	sne.s32 s2, $0x0  }
0xcf: {  	s3 =	rddreg [dreg:$0x2];
	[bflag:$0x3] =	sbarrier.arrive $0xFFFF;
	s2 =	simm.s32 @!p0 $0x1C01  }
0xd0: {  	[timem:s3], [sflag:s2] =	dma.local @!p0 [hbm:s0], s1  }
0xd1: {  	s0 =	simm.s32 @!p0 $0x1  }
0xd2: {  	_ =	swait.ge @!p0 [sflag:s0], s1  }
0xd3: {  	s1 =	ssub.s32 @!p0 $0x0, s1;
	[sflag:s0] =	ssyncset.done @!p0 $0x0  }
0xd4: {  	[sflag:s0] =	ssyncadd.s32 @!p0 s1  }
0xd5: {  	[bflag:$0x3] =	sbarrier.arrive $0xFFFF  }
0xd6: {  	_ =	shalt  }

</sc_bundles>
